<compile_context>
chip_gen: v7x
topology: tpu7x:2x2x1
jax: 0.10.2.dev20260603
libtpu: 0.0.44.dev20260713+nightly
codegen_flags: <defaults>
</compile_context>

<pallas_src>
import functools

import jax
import jax.numpy as jnp
from jax import lax
from jax.experimental import pallas as pl
from jax.experimental.pallas import tpu as pltpu
from jax.experimental.pallas import tpu_sc as plsc

N_NODES = 10000
D = 128
NP = 10240
NC, NS = 2, 16
NW = NC * NS
CHUNK = 128
RPT = NP // NS
BN = 1000
GRID = N_NODES // BN
L = 16


def _sc_mesh():
    return plsc.VectorSubcoreMesh(
        core_axis_name="c", subcore_axis_name="s", num_cores=NC, num_subcores=NS
    )


@functools.lru_cache(maxsize=None)
def _make_deg_kernel(nch):
    @functools.partial(
        pl.kernel,
        out_type=jax.ShapeDtypeStruct((NC, NP), jnp.float32),
        mesh=_sc_mesh(),
        scratch_types=[
            pltpu.VMEM((nch, CHUNK), jnp.int32),
            pltpu.VMEM((CHUNK,), jnp.float32),
            pltpu.VMEM_SHARED((NP,), jnp.float32),
        ],
    )
    def deg_kernel(row_hbm, zeros_hbm, degp_hbm, row_v, ones_v, deg_sh):
        c = lax.axis_index("c")
        s = lax.axis_index("s")
        w = c * NS + s
        for i in range(CHUNK // L):
            ones_v[pl.ds(i * L, L)] = jnp.ones((L,), jnp.float32)
        pltpu.sync_copy(zeros_hbm, deg_sh.at[pl.ds(s * RPT, RPT)])
        pltpu.sync_copy(row_hbm.at[w], row_v)
        plsc.subcore_barrier()

        def body(j, carry):
            pltpu.sync_copy(ones_v, deg_sh.at[row_v.at[j]], add=True)
            return carry

        lax.fori_loop(0, nch, body, 0)
        plsc.subcore_barrier()

        @pl.when(s == 0)
        def _():
            pltpu.sync_copy(deg_sh, degp_hbm.at[c])

    return deg_kernel


@functools.lru_cache(maxsize=None)
def _make_scatter_kernel(nch):
    @functools.partial(
        pl.kernel,
        out_type=jax.ShapeDtypeStruct((NC, NP, D), jnp.float32),
        mesh=_sc_mesh(),
        scratch_types=[
            pltpu.VMEM((nch, CHUNK), jnp.int32),
            pltpu.VMEM((nch, CHUNK), jnp.int32),
            pltpu.VMEM((CHUNK, D), jnp.float32),
            pltpu.VMEM_SHARED((NP, D), jnp.float32),
        ],
    )
    def scatter_kernel(h_hbm, row_hbm, col_hbm, z2_hbm, p_hbm, row_v, col_v,
                       buf, out_sh):
        c = lax.axis_index("c")
        s = lax.axis_index("s")
        w = c * NS + s
        pltpu.sync_copy(z2_hbm, out_sh.at[pl.ds(s * RPT, RPT)])
        pltpu.sync_copy(row_hbm.at[w], row_v)
        pltpu.sync_copy(col_hbm.at[w], col_v)
        plsc.subcore_barrier()

        def body(j, carry):
            pltpu.sync_copy(h_hbm.at[col_v.at[j]], buf)
            pltpu.sync_copy(buf, out_sh.at[row_v.at[j]], add=True)
            return carry

        lax.fori_loop(0, nch, body, 0)
        plsc.subcore_barrier()
        pltpu.sync_copy(out_sh.at[pl.ds(s * RPT, RPT)], p_hbm.at[c, pl.ds(s * RPT, RPT)])

    return scatter_kernel


def _tc1_body(x_ref, w_ref, b_ref, deg_ref, h_ref, dinv_ref):
    deg = deg_ref[0] + deg_ref[1]
    dinv = jnp.where(deg > 0, lax.rsqrt(deg), 0.0)
    h = lax.dot_general(
        x_ref[...], w_ref[...], (((1,), (1,)), ((), ())),
        preferred_element_type=jnp.float32,
    ) + b_ref[...]
    h_ref[...] = h * dinv
    dinv_ref[...] = dinv


_tc1 = pl.pallas_call(
    _tc1_body,
    grid=(GRID,),
    in_specs=[
        pl.BlockSpec((BN, D), lambda i: (i, 0)),
        pl.BlockSpec((D, D), lambda i: (0, 0)),
        pl.BlockSpec((1, D), lambda i: (0, 0)),
        pl.BlockSpec((NC, BN, 1), lambda i: (0, i, 0)),
    ],
    out_specs=[
        pl.BlockSpec((BN, D), lambda i: (i, 0)),
        pl.BlockSpec((BN, 1), lambda i: (i, 0)),
    ],
    out_shape=[
        jax.ShapeDtypeStruct((N_NODES, D), jnp.float32),
        jax.ShapeDtypeStruct((N_NODES, 1), jnp.float32),
    ],
)


def _tc2_body(p_ref, dinv_ref, out_ref):
    out_ref[...] = (p_ref[0] + p_ref[1]) * dinv_ref[...]


_tc2 = pl.pallas_call(
    _tc2_body,
    grid=(GRID,),
    in_specs=[
        pl.BlockSpec((NC, BN, D), lambda i: (0, i, 0)),
        pl.BlockSpec((BN, 1), lambda i: (i, 0)),
    ],
    out_specs=pl.BlockSpec((BN, D), lambda i: (i, 0)),
    out_shape=jax.ShapeDtypeStruct((N_NODES, D), jnp.float32),
)


def kernel(x, edge_index, W, b):
    n_edges = edge_index.shape[1]
    row = edge_index[0].astype(jnp.int32)
    col = edge_index[1].astype(jnp.int32)
    nch = -(-n_edges // (NW * CHUNK))
    epad = nch * NW * CHUNK
    pad = epad - n_edges
    pad_rows = N_NODES + (jnp.arange(pad, dtype=jnp.int32) % (NP - N_NODES))
    row_p = jnp.concatenate([row, pad_rows]).reshape(NW, nch, CHUNK)
    col_p = jnp.concatenate(
        [col, jnp.zeros((pad,), jnp.int32)]
    ).reshape(NW, nch, CHUNK)
    z1 = jnp.zeros((RPT,), jnp.float32)
    z2 = jnp.zeros((RPT, D), jnp.float32)

    degp = _make_deg_kernel(nch)(row_p, z1)
    hprime, dinv = _tc1(x, W, b[None, :], degp[:, :N_NODES, None])
    p = _make_scatter_kernel(nch)(hprime, row_p, col_p, z2)
    out = _tc2(p, dinv)
    return out

# --- scband reference (transcript-rebuilt; emitter-appended) ---
"""Pipeline reference for scband-gcnlayer-35158602285513 (READ-ONLY COPY).

The authoritative reference and input builder live on the scoring server;
editing this copy changes nothing except your own understanding.
"""

import jax, jax.numpy as jnp
import numpy as np

N_NODES = 10000
N_EDGES = 320000
D_IN = 128
D_OUT = 128


def setup_inputs(seed: int = 0) -> dict:
    key = jax.random.key(seed)
    k_x, k_e, k_w = jax.random.split(key, 3)
    x = jax.random.normal(k_x, (N_NODES, D_IN), dtype=jnp.float32)
    edge_index = jax.random.randint(k_e, (2, N_EDGES), 0, N_NODES, dtype=jnp.int64)
    W = jax.random.normal(k_w, (D_OUT, D_IN), dtype=jnp.float32) * 0.05
    b = jnp.zeros((D_OUT,), dtype=jnp.float32)
    return {"x": x, "edge_index": edge_index, "W": W, "b": b}


def reference(x, edge_index, W, b):
    row = edge_index[0]
    col = edge_index[1]
    # deg = torch.bincount(row)
    deg = jnp.bincount(row, length=N_NODES).astype(x.dtype)
    # deg_inv_sqrt = deg.pow(-0.5); inf -> 0
    deg_inv_sqrt = deg ** (-0.5)
    deg_inv_sqrt = jnp.where(jnp.isinf(deg_inv_sqrt), 0.0, deg_inv_sqrt)
    norm = deg_inv_sqrt[row] * deg_inv_sqrt[col]
    # x = self.linear(x)
    h = x @ W.T + b
    # sparse matmul: out[row] += norm * h[col]
    gathered = norm[:, None] * jnp.take(h, col, axis=0)
    out = jnp.zeros((N_NODES, D_OUT), dtype=x.dtype).at[row].add(gathered)
    return out

if __name__ == "__main__":
    import jax
    _d = setup_inputs()
    print(jax.jit(kernel)(*tuple(_d.values())))

</pallas_src>

<mosaic_0001>
#map = affine_map<(d0, d1) -> (0, 0, 0)>
#map1 = affine_map<(d0, d1) -> (0)>
#map2 = affine_map<(d0, d1) -> (0, 0)>
module attributes {stable_mosaic.version = 14 : i64} {
  func.func @deg_kernel(%arg0: i32, %arg1: i32, %arg2: memref<32x79x128xi32, #tpu.memory_space<hbm>>, %arg3: memref<640xf32, #tpu.memory_space<hbm>>, %arg4: memref<2x10240xf32, #tpu.memory_space<hbm>>, %arg5: memref<79x128xi32, #tpu.memory_space<vmem>>, %arg6: memref<128xf32, #tpu.memory_space<vmem>>, %arg7: memref<10240xf32, #tpu.memory_space<vmem_shared>>) attributes {dimension_semantics = [#tpu.dimension_semantics<core_parallel>, #tpu.dimension_semantics<subcore_parallel>], iteration_bounds = array<i64: 2, 16>, scalar_prefetch = 0 : i64, scratch_operands = 3 : i64, tpu.core_type = #tpu.core_type<sc_vector_subcore>, window_params = [{transform_indices = #map}, {transform_indices = #map1}, {transform_indices = #map2}]} {
    %mul3A = arith.constant 16 : i32
    %mul3A_0 = arith.muli %arg0, %mul3A : i32
    %add3A = arith.addi %mul3A_0, %arg1 : i32
    %broadcast_in_dim3A = arith.constant 1.000000e+00 : f32
    %broadcast_in_dim3A_1 = vector.broadcast %broadcast_in_dim3A : f32 to vector<16xf32>
    %swap3A = arith.constant 0 : index
    %swap3A_2 = tpu.vector_load %arg6[%swap3A] {strides = array<i32>} : memref<128xf32, #tpu.memory_space<vmem>>, vector<16xf32>,
    %swap3A_3 = vector.shape_cast %swap3A_2 : vector<16xf32> to vector<16xf32>
    %swap3A_4 = vector.shape_cast %broadcast_in_dim3A_1 : vector<16xf32> to vector<16xf32>
    tpu.vector_store %arg6[%swap3A], %swap3A_4 {strides = array<i32>} : memref<128xf32, #tpu.memory_space<vmem>>, vector<16xf32>,
    %broadcast_in_dim3A_5 = arith.constant 1.000000e+00 : f32
    %broadcast_in_dim3A_6 = vector.broadcast %broadcast_in_dim3A_5 : f32 to vector<16xf32>
    %swap3A_7 = arith.constant 16 : index
    %swap3A_8 = tpu.vector_load %arg6[%swap3A_7] {strides = array<i32>} : memref<128xf32, #tpu.memory_space<vmem>>, vector<16xf32>,
    %swap3A_9 = vector.shape_cast %swap3A_8 : vector<16xf32> to vector<16xf32>
    %swap3A_10 = vector.shape_cast %broadcast_in_dim3A_6 : vector<16xf32> to vector<16xf32>
    tpu.vector_store %arg6[%swap3A_7], %swap3A_10 {strides = array<i32>} : memref<128xf32, #tpu.memory_space<vmem>>, vector<16xf32>,
    %broadcast_in_dim3A_11 = arith.constant 1.000000e+00 : f32
    %broadcast_in_dim3A_12 = vector.broadcast %broadcast_in_dim3A_11 : f32 to vector<16xf32>
    %swap3A_13 = arith.constant 32 : index
    %swap3A_14 = tpu.vector_load %arg6[%swap3A_13] {strides = array<i32>} : memref<128xf32, #tpu.memory_space<vmem>>, vector<16xf32>,
    %swap3A_15 = vector.shape_cast %swap3A_14 : vector<16xf32> to vector<16xf32>
    %swap3A_16 = vector.shape_cast %broadcast_in_dim3A_12 : vector<16xf32> to vector<16xf32>
    tpu.vector_store %arg6[%swap3A_13], %swap3A_16 {strides = array<i32>} : memref<128xf32, #tpu.memory_space<vmem>>, vector<16xf32>,
    %broadcast_in_dim3A_17 = arith.constant 1.000000e+00 : f32
    %broadcast_in_dim3A_18 = vector.broadcast %broadcast_in_dim3A_17 : f32 to vector<16xf32>
    %swap3A_19 = arith.constant 48 : index
    %swap3A_20 = tpu.vector_load %arg6[%swap3A_19] {strides = array<i32>} : memref<128xf32, #tpu.memory_space<vmem>>, vector<16xf32>,
    %swap3A_21 = vector.shape_cast %swap3A_20 : vector<16xf32> to vector<16xf32>
    %swap3A_22 = vector.shape_cast %broadcast_in_dim3A_18 : vector<16xf32> to vector<16xf32>
    tpu.vector_store %arg6[%swap3A_19], %swap3A_22 {strides = array<i32>} : memref<128xf32, #tpu.memory_space<vmem>>, vector<16xf32>,
    %broadcast_in_dim3A_23 = arith.constant 1.000000e+00 : f32
    %broadcast_in_dim3A_24 = vector.broadcast %broadcast_in_dim3A_23 : f32 to vector<16xf32>
    %swap3A_25 = arith.constant 64 : index
    %swap3A_26 = tpu.vector_load %arg6[%swap3A_25] {strides = array<i32>} : memref<128xf32, #tpu.memory_space<vmem>>, vector<16xf32>,
    %swap3A_27 = vector.shape_cast %swap3A_26 : vector<16xf32> to vector<16xf32>
    %swap3A_28 = vector.shape_cast %broadcast_in_dim3A_24 : vector<16xf32> to vector<16xf32>
    tpu.vector_store %arg6[%swap3A_25], %swap3A_28 {strides = array<i32>} : memref<128xf32, #tpu.memory_space<vmem>>, vector<16xf32>,
    %broadcast_in_dim3A_29 = arith.constant 1.000000e+00 : f32
    %broadcast_in_dim3A_30 = vector.broadcast %broadcast_in_dim3A_29 : f32 to vector<16xf32>
    %swap3A_31 = arith.constant 80 : index
    %swap3A_32 = tpu.vector_load %arg6[%swap3A_31] {strides = array<i32>} : memref<128xf32, #tpu.memory_space<vmem>>, vector<16xf32>,
    %swap3A_33 = vector.shape_cast %swap3A_32 : vector<16xf32> to vector<16xf32>
    %swap3A_34 = vector.shape_cast %broadcast_in_dim3A_30 : vector<16xf32> to vector<16xf32>
    tpu.vector_store %arg6[%swap3A_31], %swap3A_34 {strides = array<i32>} : memref<128xf32, #tpu.memory_space<vmem>>, vector<16xf32>,
    %broadcast_in_dim3A_35 = arith.constant 1.000000e+00 : f32
    %broadcast_in_dim3A_36 = vector.broadcast %broadcast_in_dim3A_35 : f32 to vector<16xf32>
    %swap3A_37 = arith.constant 96 : index
    %swap3A_38 = tpu.vector_load %arg6[%swap3A_37] {strides = array<i32>} : memref<128xf32, #tpu.memory_space<vmem>>, vector<16xf32>,
    %swap3A_39 = vector.shape_cast %swap3A_38 : vector<16xf32> to vector<16xf32>
    %swap3A_40 = vector.shape_cast %broadcast_in_dim3A_36 : vector<16xf32> to vector<16xf32>
    tpu.vector_store %arg6[%swap3A_37], %swap3A_40 {strides = array<i32>} : memref<128xf32, #tpu.memory_space<vmem>>, vector<16xf32>,
    %broadcast_in_dim3A_41 = arith.constant 1.000000e+00 : f32
    %broadcast_in_dim3A_42 = vector.broadcast %broadcast_in_dim3A_41 : f32 to vector<16xf32>
    %swap3A_43 = arith.constant 112 : index
    %swap3A_44 = tpu.vector_load %arg6[%swap3A_43] {strides = array<i32>} : memref<128xf32, #tpu.memory_space<vmem>>, vector<16xf32>,
    %swap3A_45 = vector.shape_cast %swap3A_44 : vector<16xf32> to vector<16xf32>
    %swap3A_46 = vector.shape_cast %broadcast_in_dim3A_42 : vector<16xf32> to vector<16xf32>
    tpu.vector_store %arg6[%swap3A_43], %swap3A_46 {strides = array<i32>} : memref<128xf32, #tpu.memory_space<vmem>>, vector<16xf32>,
    %mul3A_47 = arith.constant 640 : i32
    %mul3A_48 = arith.muli %arg1, %mul3A_47 : i32
    "tpu.region"() ({
      %run_scoped3A = tpu.sem_alloc : memref<!tpu.dma_semaphore, #tpu.memory_space<semaphore_mem>>
      %dma_start3A = tpu.memref_slice %arg7[%mul3A_48] : memref<10240xf32, #tpu.memory_space<vmem_shared>> -> memref<640xf32, #tpu.memory_space<vmem_shared>>
      tpu.enqueue_dma source(%arg3 : memref<640xf32, #tpu.memory_space<hbm>>) target(%dma_start3A : memref<640xf32, #tpu.memory_space<vmem_shared>>) target_semaphore(%run_scoped3A : memref<!tpu.dma_semaphore, #tpu.memory_space<semaphore_mem>>)
      %dma_wait3A = tpu.memref_slice %arg7[%mul3A_48] : memref<10240xf32, #tpu.memory_space<vmem_shared>> -> memref<640xf32, #tpu.memory_space<vmem_shared>>
      tpu.wait_dma2 semaphore(%run_scoped3A : memref<!tpu.dma_semaphore, #tpu.memory_space<semaphore_mem>>) src(%arg3 : memref<640xf32, #tpu.memory_space<hbm>>) dst(%dma_wait3A : memref<640xf32, #tpu.memory_space<vmem_shared>>)
      tpu.yield
    }) : () -> ()
    "tpu.region"() ({
      %run_scoped3A = tpu.sem_alloc : memref<!tpu.dma_semaphore, #tpu.memory_space<semaphore_mem>>
      %dma_start3A = arith.constant 0 : i32
      %dma_start3A_57 = arith.constant 0 : i32
      %dma_start3A_58 = tpu.memref_slice %arg2[%add3A, %dma_start3A, %dma_start3A_57] : memref<32x79x128xi32, #tpu.memory_space<hbm>> -> memref<1x79x128xi32, #tpu.memory_space<hbm>>
      %dma_start3A_59 = tpu.memref_squeeze %dma_start3A_58 : memref<1x79x128xi32, #tpu.memory_space<hbm>> -> memref<79x128xi32, #tpu.memory_space<hbm>>
      %dma_start3A_60 = arith.constant 0 : i32
      %dma_start3A_61 = arith.constant 0 : i32
      %dma_start3A_62 = tpu.memref_slice %arg2[%add3A, %dma_start3A_60, %dma_start3A_61] : memref<32x79x128xi32, #tpu.memory_space<hbm>> -> memref<1x79x128xi32, #tpu.memory_space<hbm>>
      %dma_start3A_63 = tpu.memref_squeeze %dma_start3A_62 : memref<1x79x128xi32, #tpu.memory_space<hbm>> -> memref<79x128xi32, #tpu.memory_space<hbm>>
      tpu.enqueue_dma source(%dma_start3A_63 : memref<79x128xi32, #tpu.memory_space<hbm>>) target(%arg5 : memref<79x128xi32, #tpu.memory_space<vmem>>) target_semaphore(%run_scoped3A : memref<!tpu.dma_semaphore, #tpu.memory_space<semaphore_mem>>)
      %dma_wait3A = arith.constant 0 : i32
      %dma_wait3A_64 = arith.constant 0 : i32
      %dma_wait3A_65 = tpu.memref_slice %arg2[%add3A, %dma_wait3A, %dma_wait3A_64] : memref<32x79x128xi32, #tpu.memory_space<hbm>> -> memref<1x79x128xi32, #tpu.memory_space<hbm>>
      %dma_wait3A_66 = tpu.memref_squeeze %dma_wait3A_65 : memref<1x79x128xi32, #tpu.memory_space<hbm>> -> memref<79x128xi32, #tpu.memory_space<hbm>>
      %dma_wait3A_67 = arith.constant 0 : i32
      %dma_wait3A_68 = arith.constant 0 : i32
      %dma_wait3A_69 = tpu.memref_slice %arg2[%add3A, %dma_wait3A_67, %dma_wait3A_68] : memref<32x79x128xi32, #tpu.memory_space<hbm>> -> memref<1x79x128xi32, #tpu.memory_space<hbm>>
      %dma_wait3A_70 = tpu.memref_squeeze %dma_wait3A_69 : memref<1x79x128xi32, #tpu.memory_space<hbm>> -> memref<79x128xi32, #tpu.memory_space<hbm>>
      tpu.wait_dma2 semaphore(%run_scoped3A : memref<!tpu.dma_semaphore, #tpu.memory_space<semaphore_mem>>) src(%dma_wait3A_70 : memref<79x128xi32, #tpu.memory_space<hbm>>) dst(%arg5 : memref<79x128xi32, #tpu.memory_space<vmem>>)
      tpu.yield
    }) : () -> ()
    %barrier3A = arith.constant 0 : index
    tpu.barrier barrier_id(%barrier3A)
    %scan3A = arith.constant 0 : i32
    %scan3A_49 = arith.constant 0 : i32
    %scan3A_50 = arith.constant 79 : i32
    %scan3A_51 = arith.addi %scan3A_49, %scan3A_50 : i32
    %scan3A_52 = arith.constant 1 : i32
    scf.for %scan3A_57 = %scan3A_49 to %scan3A_51 step %scan3A_52  : i32 {
      "tpu.region"() ({
        %run_scoped3A = tpu.sem_alloc : memref<!tpu.dma_semaphore, #tpu.memory_space<semaphore_mem>>
        %dma_start3A = arith.constant 0 : i32
        %dma_start3A_58 = tpu.memref_slice %arg5[%scan3A_57, %dma_start3A] : memref<79x128xi32, #tpu.memory_space<vmem>> -> memref<1x128xi32, #tpu.memory_space<vmem>>
        %dma_start3A_59 = tpu.memref_squeeze %dma_start3A_58 : memref<1x128xi32, #tpu.memory_space<vmem>> -> memref<128xi32, #tpu.memory_space<vmem>>
        %dma_start3A_60 = arith.constant 0 : i32
        %dma_start3A_61 = tpu.memref_slice %arg7[%dma_start3A_60] : memref<10240xf32, #tpu.memory_space<vmem_shared>> -> memref<10240xf32, #tpu.memory_space<vmem_shared>>
        tpu.enqueue_indirect_dma source(%arg6 : memref<128xf32, #tpu.memory_space<vmem>>) target(%dma_start3A_61 : memref<10240xf32, #tpu.memory_space<vmem_shared>>) offsets(%dma_start3A_59 : memref<128xi32, #tpu.memory_space<vmem>>) semaphore(%run_scoped3A : memref<!tpu.dma_semaphore, #tpu.memory_space<semaphore_mem>>) {add = true}
        %dma_wait3A = arith.constant 0 : i32
        %dma_wait3A_62 = tpu.memref_slice %arg5[%scan3A_57, %dma_wait3A] : memref<79x128xi32, #tpu.memory_space<vmem>> -> memref<1x128xi32, #tpu.memory_space<vmem>>
        %dma_wait3A_63 = tpu.memref_squeeze %dma_wait3A_62 : memref<1x128xi32, #tpu.memory_space<vmem>> -> memref<128xi32, #tpu.memory_space<vmem>>
        %dma_wait3A_64 = arith.constant 0 : i32
        %dma_wait3A_65 = tpu.memref_slice %arg7[%dma_wait3A_64] : memref<10240xf32, #tpu.memory_space<vmem_shared>> -> memref<10240xf32, #tpu.memory_space<vmem_shared>>
        tpu.wait_indirect_dma semaphore(%run_scoped3A : memref<!tpu.dma_semaphore, #tpu.memory_space<semaphore_mem>>) src(%arg6 : memref<128xf32, #tpu.memory_space<vmem>>) dst(%dma_wait3A_65 : memref<10240xf32, #tpu.memory_space<vmem_shared>>)
        tpu.yield
      }) : () -> ()
    }
    %scan3A_53 = arith.constant 79 : i32
    %barrier3A_54 = arith.constant 0 : index
    tpu.barrier barrier_id(%barrier3A_54)
    %eq3A = arith.constant 0 : i32
    %eq3A_55 = arith.cmpi eq, %arg1, %eq3A : i32
    %convert_element_type3A = arith.extui %eq3A_55 : i1 to i32
    %cond3A = arith.constant 0 : i32
    %cond3A_56 = arith.cmpi ne, %convert_element_type3A, %cond3A : i32
    scf.if %cond3A_56 {
      "tpu.region"() ({
        %run_scoped3A = tpu.sem_alloc : memref<!tpu.dma_semaphore, #tpu.memory_space<semaphore_mem>>
        %dma_start3A = arith.constant 0 : i32
        %dma_start3A_57 = tpu.memref_slice %arg4[%arg0, %dma_start3A] : memref<2x10240xf32, #tpu.memory_space<hbm>> -> memref<1x10240xf32, #tpu.memory_space<hbm>>
        %dma_start3A_58 = tpu.memref_squeeze %dma_start3A_57 : memref<1x10240xf32, #tpu.memory_space<hbm>> -> memref<10240xf32, #tpu.memory_space<hbm>>
        tpu.enqueue_dma source(%arg7 : memref<10240xf32, #tpu.memory_space<vmem_shared>>) target(%dma_start3A_58 : memref<10240xf32, #tpu.memory_space<hbm>>) target_semaphore(%run_scoped3A : memref<!tpu.dma_semaphore, #tpu.memory_space<semaphore_mem>>)
        %dma_wait3A = arith.constant 0 : i32
        %dma_wait3A_59 = tpu.memref_slice %arg4[%arg0, %dma_wait3A] : memref<2x10240xf32, #tpu.memory_space<hbm>> -> memref<1x10240xf32, #tpu.memory_space<hbm>>
        %dma_wait3A_60 = tpu.memref_squeeze %dma_wait3A_59 : memref<1x10240xf32, #tpu.memory_space<hbm>> -> memref<10240xf32, #tpu.memory_space<hbm>>
        tpu.wait_dma2 semaphore(%run_scoped3A : memref<!tpu.dma_semaphore, #tpu.memory_space<semaphore_mem>>) src(%arg7 : memref<10240xf32, #tpu.memory_space<vmem_shared>>) dst(%dma_wait3A_60 : memref<10240xf32, #tpu.memory_space<hbm>>)
        tpu.yield
      }) : () -> ()
    } else {
    }
    return
  }
}

#map = affine_map<(d0, d1) -> (0, 0)>
#map1 = affine_map<(d0, d1) -> (0, 0, 0)>
module attributes {stable_mosaic.version = 14 : i64} {
  func.func @scatter_kernel(%arg0: i32, %arg1: i32, %arg2: memref<10000x128xf32, #tpu.memory_space<hbm>>, %arg3: memref<32x79x128xi32, #tpu.memory_space<hbm>>, %arg4: memref<32x79x128xi32, #tpu.memory_space<hbm>>, %arg5: memref<640x128xf32, #tpu.memory_space<hbm>>, %arg6: memref<2x10240x128xf32, #tpu.memory_space<hbm>>, %arg7: memref<79x128xi32, #tpu.memory_space<vmem>>, %arg8: memref<79x128xi32, #tpu.memory_space<vmem>>, %arg9: memref<128x128xf32, #tpu.memory_space<vmem>>, %arg10: memref<10240x128xf32, #tpu.memory_space<vmem_shared>>) attributes {dimension_semantics = [#tpu.dimension_semantics<core_parallel>, #tpu.dimension_semantics<subcore_parallel>], iteration_bounds = array<i64: 2, 16>, scalar_prefetch = 0 : i64, scratch_operands = 4 : i64, tpu.core_type = #tpu.core_type<sc_vector_subcore>, window_params = [{transform_indices = #map}, {transform_indices = #map1}, {transform_indices = #map1}, {transform_indices = #map}, {transform_indices = #map1}]} {
    %mul3A = arith.constant 16 : i32
    %mul3A_0 = arith.muli %arg0, %mul3A : i32
    %add3A = arith.addi %mul3A_0, %arg1 : i32
    %mul3A_1 = arith.constant 640 : i32
    %mul3A_2 = arith.muli %arg1, %mul3A_1 : i32
    "tpu.region"() ({
      %run_scoped3A = tpu.sem_alloc : memref<!tpu.dma_semaphore, #tpu.memory_space<semaphore_mem>>
      %dma_start3A = arith.constant 0 : i32
      %dma_start3A_13 = tpu.memref_slice %arg10[%mul3A_2, %dma_start3A] : memref<10240x128xf32, #tpu.memory_space<vmem_shared>> -> memref<640x128xf32, #tpu.memory_space<vmem_shared>>
      tpu.enqueue_dma source(%arg5 : memref<640x128xf32, #tpu.memory_space<hbm>>) target(%dma_start3A_13 : memref<640x128xf32, #tpu.memory_space<vmem_shared>>) target_semaphore(%run_scoped3A : memref<!tpu.dma_semaphore, #tpu.memory_space<semaphore_mem>>)
      %dma_wait3A = arith.constant 0 : i32
      %dma_wait3A_14 = tpu.memref_slice %arg10[%mul3A_2, %dma_wait3A] : memref<10240x128xf32, #tpu.memory_space<vmem_shared>> -> memref<640x128xf32, #tpu.memory_space<vmem_shared>>
      tpu.wait_dma2 semaphore(%run_scoped3A : memref<!tpu.dma_semaphore, #tpu.memory_space<semaphore_mem>>) src(%arg5 : memref<640x128xf32, #tpu.memory_space<hbm>>) dst(%dma_wait3A_14 : memref<640x128xf32, #tpu.memory_space<vmem_shared>>)
      tpu.yield
    }) : () -> ()
    "tpu.region"() ({
      %run_scoped3A = tpu.sem_alloc : memref<!tpu.dma_semaphore, #tpu.memory_space<semaphore_mem>>
      %dma_start3A = arith.constant 0 : i32
      %dma_start3A_13 = arith.constant 0 : i32
      %dma_start3A_14 = tpu.memref_slice %arg3[%add3A, %dma_start3A, %dma_start3A_13] : memref<32x79x128xi32, #tpu.memory_space<hbm>> -> memref<1x79x128xi32, #tpu.memory_space<hbm>>
      %dma_start3A_15 = tpu.memref_squeeze %dma_start3A_14 : memref<1x79x128xi32, #tpu.memory_space<hbm>> -> memref<79x128xi32, #tpu.memory_space<hbm>>
      %dma_start3A_16 = arith.constant 0 : i32
      %dma_start3A_17 = arith.constant 0 : i32
      %dma_start3A_18 = tpu.memref_slice %arg3[%add3A, %dma_start3A_16, %dma_start3A_17] : memref<32x79x128xi32, #tpu.memory_space<hbm>> -> memref<1x79x128xi32, #tpu.memory_space<hbm>>
      %dma_start3A_19 = tpu.memref_squeeze %dma_start3A_18 : memref<1x79x128xi32, #tpu.memory_space<hbm>> -> memref<79x128xi32, #tpu.memory_space<hbm>>
      tpu.enqueue_dma source(%dma_start3A_19 : memref<79x128xi32, #tpu.memory_space<hbm>>) target(%arg7 : memref<79x128xi32, #tpu.memory_space<vmem>>) target_semaphore(%run_scoped3A : memref<!tpu.dma_semaphore, #tpu.memory_space<semaphore_mem>>)
      %dma_wait3A = arith.constant 0 : i32
      %dma_wait3A_20 = arith.constant 0 : i32
      %dma_wait3A_21 = tpu.memref_slice %arg3[%add3A, %dma_wait3A, %dma_wait3A_20] : memref<32x79x128xi32, #tpu.memory_space<hbm>> -> memref<1x79x128xi32, #tpu.memory_space<hbm>>
      %dma_wait3A_22 = tpu.memref_squeeze %dma_wait3A_21 : memref<1x79x128xi32, #tpu.memory_space<hbm>> -> memref<79x128xi32, #tpu.memory_space<hbm>>
      %dma_wait3A_23 = arith.constant 0 : i32
      %dma_wait3A_24 = arith.constant 0 : i32
      %dma_wait3A_25 = tpu.memref_slice %arg3[%add3A, %dma_wait3A_23, %dma_wait3A_24] : memref<32x79x128xi32, #tpu.memory_space<hbm>> -> memref<1x79x128xi32, #tpu.memory_space<hbm>>
      %dma_wait3A_26 = tpu.memref_squeeze %dma_wait3A_25 : memref<1x79x128xi32, #tpu.memory_space<hbm>> -> memref<79x128xi32, #tpu.memory_space<hbm>>
      tpu.wait_dma2 semaphore(%run_scoped3A : memref<!tpu.dma_semaphore, #tpu.memory_space<semaphore_mem>>) src(%dma_wait3A_26 : memref<79x128xi32, #tpu.memory_space<hbm>>) dst(%arg7 : memref<79x128xi32, #tpu.memory_space<vmem>>)
      tpu.yield
    }) : () -> ()
    "tpu.region"() ({
      %run_scoped3A = tpu.sem_alloc : memref<!tpu.dma_semaphore, #tpu.memory_space<semaphore_mem>>
      %dma_start3A = arith.constant 0 : i32
      %dma_start3A_13 = arith.constant 0 : i32
      %dma_start3A_14 = tpu.memref_slice %arg4[%add3A, %dma_start3A, %dma_start3A_13] : memref<32x79x128xi32, #tpu.memory_space<hbm>> -> memref<1x79x128xi32, #tpu.memory_space<hbm>>
      %dma_start3A_15 = tpu.memref_squeeze %dma_start3A_14 : memref<1x79x128xi32, #tpu.memory_space<hbm>> -> memref<79x128xi32, #tpu.memory_space<hbm>>
      %dma_start3A_16 = arith.constant 0 : i32
      %dma_start3A_17 = arith.constant 0 : i32
      %dma_start3A_18 = tpu.memref_slice %arg4[%add3A, %dma_start3A_16, %dma_start3A_17] : memref<32x79x128xi32, #tpu.memory_space<hbm>> -> memref<1x79x128xi32, #tpu.memory_space<hbm>>
      %dma_start3A_19 = tpu.memref_squeeze %dma_start3A_18 : memref<1x79x128xi32, #tpu.memory_space<hbm>> -> memref<79x128xi32, #tpu.memory_space<hbm>>
      tpu.enqueue_dma source(%dma_start3A_19 : memref<79x128xi32, #tpu.memory_space<hbm>>) target(%arg8 : memref<79x128xi32, #tpu.memory_space<vmem>>) target_semaphore(%run_scoped3A : memref<!tpu.dma_semaphore, #tpu.memory_space<semaphore_mem>>)
      %dma_wait3A = arith.constant 0 : i32
      %dma_wait3A_20 = arith.constant 0 : i32
      %dma_wait3A_21 = tpu.memref_slice %arg4[%add3A, %dma_wait3A, %dma_wait3A_20] : memref<32x79x128xi32, #tpu.memory_space<hbm>> -> memref<1x79x128xi32, #tpu.memory_space<hbm>>
      %dma_wait3A_22 = tpu.memref_squeeze %dma_wait3A_21 : memref<1x79x128xi32, #tpu.memory_space<hbm>> -> memref<79x128xi32, #tpu.memory_space<hbm>>
      %dma_wait3A_23 = arith.constant 0 : i32
      %dma_wait3A_24 = arith.constant 0 : i32
      %dma_wait3A_25 = tpu.memref_slice %arg4[%add3A, %dma_wait3A_23, %dma_wait3A_24] : memref<32x79x128xi32, #tpu.memory_space<hbm>> -> memref<1x79x128xi32, #tpu.memory_space<hbm>>
      %dma_wait3A_26 = tpu.memref_squeeze %dma_wait3A_25 : memref<1x79x128xi32, #tpu.memory_space<hbm>> -> memref<79x128xi32, #tpu.memory_space<hbm>>
      tpu.wait_dma2 semaphore(%run_scoped3A : memref<!tpu.dma_semaphore, #tpu.memory_space<semaphore_mem>>) src(%dma_wait3A_26 : memref<79x128xi32, #tpu.memory_space<hbm>>) dst(%arg8 : memref<79x128xi32, #tpu.memory_space<vmem>>)
      tpu.yield
    }) : () -> ()
    %barrier3A = arith.constant 0 : index
    tpu.barrier barrier_id(%barrier3A)
    %scan3A = arith.constant 0 : i32
    %scan3A_3 = arith.constant 0 : i32
    %scan3A_4 = arith.constant 79 : i32
    %scan3A_5 = arith.addi %scan3A_3, %scan3A_4 : i32
    %scan3A_6 = arith.constant 1 : i32
    scf.for %scan3A_13 = %scan3A_3 to %scan3A_5 step %scan3A_6  : i32 {
      "tpu.region"() ({
        %run_scoped3A = tpu.sem_alloc : memref<!tpu.dma_semaphore, #tpu.memory_space<semaphore_mem>>
        %dma_start3A = arith.constant 0 : i32
        %dma_start3A_14 = tpu.memref_slice %arg8[%scan3A_13, %dma_start3A] : memref<79x128xi32, #tpu.memory_space<vmem>> -> memref<1x128xi32, #tpu.memory_space<vmem>>
        %dma_start3A_15 = tpu.memref_squeeze %dma_start3A_14 : memref<1x128xi32, #tpu.memory_space<vmem>> -> memref<128xi32, #tpu.memory_space<vmem>>
        %dma_start3A_16 = arith.constant 0 : i32
        %dma_start3A_17 = arith.constant 0 : i32
        %dma_start3A_18 = tpu.memref_slice %arg2[%dma_start3A_16, %dma_start3A_17] : memref<10000x128xf32, #tpu.memory_space<hbm>> -> memref<10000x128xf32, #tpu.memory_space<hbm>>
        tpu.enqueue_indirect_dma source(%dma_start3A_18 : memref<10000x128xf32, #tpu.memory_space<hbm>>) target(%arg9 : memref<128x128xf32, #tpu.memory_space<vmem>>) offsets(%dma_start3A_15 : memref<128xi32, #tpu.memory_space<vmem>>) semaphore(%run_scoped3A : memref<!tpu.dma_semaphore, #tpu.memory_space<semaphore_mem>>)
        %dma_wait3A = arith.constant 0 : i32
        %dma_wait3A_19 = tpu.memref_slice %arg8[%scan3A_13, %dma_wait3A] : memref<79x128xi32, #tpu.memory_space<vmem>> -> memref<1x128xi32, #tpu.memory_space<vmem>>
        %dma_wait3A_20 = tpu.memref_squeeze %dma_wait3A_19 : memref<1x128xi32, #tpu.memory_space<vmem>> -> memref<128xi32, #tpu.memory_space<vmem>>
        %dma_wait3A_21 = arith.constant 0 : i32
        %dma_wait3A_22 = arith.constant 0 : i32
        %dma_wait3A_23 = tpu.memref_slice %arg2[%dma_wait3A_21, %dma_wait3A_22] : memref<10000x128xf32, #tpu.memory_space<hbm>> -> memref<10000x128xf32, #tpu.memory_space<hbm>>
        tpu.wait_indirect_dma semaphore(%run_scoped3A : memref<!tpu.dma_semaphore, #tpu.memory_space<semaphore_mem>>) src(%dma_wait3A_23 : memref<10000x128xf32, #tpu.memory_space<hbm>>) dst(%arg9 : memref<128x128xf32, #tpu.memory_space<vmem>>)
        tpu.yield
      }) : () -> ()
      "tpu.region"() ({
        %run_scoped3A = tpu.sem_alloc : memref<!tpu.dma_semaphore, #tpu.memory_space<semaphore_mem>>
        %dma_start3A = arith.constant 0 : i32
        %dma_start3A_14 = tpu.memref_slice %arg7[%scan3A_13, %dma_start3A] : memref<79x128xi32, #tpu.memory_space<vmem>> -> memref<1x128xi32, #tpu.memory_space<vmem>>
        %dma_start3A_15 = tpu.memref_squeeze %dma_start3A_14 : memref<1x128xi32, #tpu.memory_space<vmem>> -> memref<128xi32, #tpu.memory_space<vmem>>
        %dma_start3A_16 = arith.constant 0 : i32
        %dma_start3A_17 = arith.constant 0 : i32
        %dma_start3A_18 = tpu.memref_slice %arg10[%dma_start3A_16, %dma_start3A_17] : memref<10240x128xf32, #tpu.memory_space<vmem_shared>> -> memref<10240x128xf32, #tpu.memory_space<vmem_shared>>
        tpu.enqueue_indirect_dma source(%arg9 : memref<128x128xf32, #tpu.memory_space<vmem>>) target(%dma_start3A_18 : memref<10240x128xf32, #tpu.memory_space<vmem_shared>>) offsets(%dma_start3A_15 : memref<128xi32, #tpu.memory_space<vmem>>) semaphore(%run_scoped3A : memref<!tpu.dma_semaphore, #tpu.memory_space<semaphore_mem>>) {add = true}
        %dma_wait3A = arith.constant 0 : i32
        %dma_wait3A_19 = tpu.memref_slice %arg7[%scan3A_13, %dma_wait3A] : memref<79x128xi32, #tpu.memory_space<vmem>> -> memref<1x128xi32, #tpu.memory_space<vmem>>
        %dma_wait3A_20 = tpu.memref_squeeze %dma_wait3A_19 : memref<1x128xi32, #tpu.memory_space<vmem>> -> memref<128xi32, #tpu.memory_space<vmem>>
        %dma_wait3A_21 = arith.constant 0 : i32
        %dma_wait3A_22 = arith.constant 0 : i32
        %dma_wait3A_23 = tpu.memref_slice %arg10[%dma_wait3A_21, %dma_wait3A_22] : memref<10240x128xf32, #tpu.memory_space<vmem_shared>> -> memref<10240x128xf32, #tpu.memory_space<vmem_shared>>
        tpu.wait_indirect_dma semaphore(%run_scoped3A : memref<!tpu.dma_semaphore, #tpu.memory_space<semaphore_mem>>) src(%arg9 : memref<128x128xf32, #tpu.memory_space<vmem>>) dst(%dma_wait3A_23 : memref<10240x128xf32, #tpu.memory_space<vmem_shared>>)
        tpu.yield
      }) : () -> ()
    }
    %scan3A_7 = arith.constant 79 : i32
    %barrier3A_8 = arith.constant 0 : index
    tpu.barrier barrier_id(%barrier3A_8)
    %mul3A_9 = arith.constant 640 : i32
    %mul3A_10 = arith.muli %arg1, %mul3A_9 : i32
    %mul3A_11 = arith.constant 640 : i32
    %mul3A_12 = arith.muli %arg1, %mul3A_11 : i32
    "tpu.region"() ({
      %run_scoped3A = tpu.sem_alloc : memref<!tpu.dma_semaphore, #tpu.memory_space<semaphore_mem>>
      %dma_start3A = arith.constant 0 : i32
      %dma_start3A_13 = tpu.memref_slice %arg6[%arg0, %mul3A_12, %dma_start3A] : memref<2x10240x128xf32, #tpu.memory_space<hbm>> -> memref<1x640x128xf32, #tpu.memory_space<hbm>>
      %dma_start3A_14 = tpu.memref_squeeze %dma_start3A_13 : memref<1x640x128xf32, #tpu.memory_space<hbm>> -> memref<640x128xf32, #tpu.memory_space<hbm>>
      %dma_start3A_15 = arith.constant 0 : i32
      %dma_start3A_16 = tpu.memref_slice %arg10[%mul3A_10, %dma_start3A_15] : memref<10240x128xf32, #tpu.memory_space<vmem_shared>> -> memref<640x128xf32, #tpu.memory_space<vmem_shared>>
      tpu.enqueue_dma source(%dma_start3A_16 : memref<640x128xf32, #tpu.memory_space<vmem_shared>>) target(%dma_start3A_14 : memref<640x128xf32, #tpu.memory_space<hbm>>) target_semaphore(%run_scoped3A : memref<!tpu.dma_semaphore, #tpu.memory_space<semaphore_mem>>)
      %dma_wait3A = arith.constant 0 : i32
      %dma_wait3A_17 = tpu.memref_slice %arg6[%arg0, %mul3A_12, %dma_wait3A] : memref<2x10240x128xf32, #tpu.memory_space<hbm>> -> memref<1x640x128xf32, #tpu.memory_space<hbm>>
      %dma_wait3A_18 = tpu.memref_squeeze %dma_wait3A_17 : memref<1x640x128xf32, #tpu.memory_space<hbm>> -> memref<640x128xf32, #tpu.memory_space<hbm>>
      %dma_wait3A_19 = arith.constant 0 : i32
      %dma_wait3A_20 = tpu.memref_slice %arg10[%mul3A_10, %dma_wait3A_19] : memref<10240x128xf32, #tpu.memory_space<vmem_shared>> -> memref<640x128xf32, #tpu.memory_space<vmem_shared>>
      tpu.wait_dma2 semaphore(%run_scoped3A : memref<!tpu.dma_semaphore, #tpu.memory_space<semaphore_mem>>) src(%dma_wait3A_20 : memref<640x128xf32, #tpu.memory_space<vmem_shared>>) dst(%dma_wait3A_18 : memref<640x128xf32, #tpu.memory_space<hbm>>)
      tpu.yield
    }) : () -> ()
    return
  }
}

module attributes {stable_mosaic.version = 14 : i64} {
  func.func @_tc1_body(%arg0: i32, %arg1: memref<1000x128xf32, #tpu.memory_space<vmem>>, %arg2: memref<128x128xf32, #tpu.memory_space<vmem>>, %arg3: memref<1x128xf32, #tpu.memory_space<vmem>>, %arg4: memref<2x1000x1xf32, #tpu.memory_space<vmem>>, %arg5: memref<1000x128xf32, #tpu.memory_space<vmem>>, %arg6: memref<1000x1xf32, #tpu.memory_space<vmem>>) attributes {dimension_semantics = [#tpu.dimension_semantics<arbitrary>], iteration_bounds = array<i64: 10>, scalar_prefetch = 0 : i64, scratch_operands = 0 : i64, tpu.core_type = #tpu.core_type<tc>, window_params = [{transform_indices = @transform_0, window_bounds = array<i64: 1000, 128>}, {pipeline_mode = #tpu.pipeline_mode<synchronous>, transform_indices = @transform_1, window_bounds = array<i64: 128, 128>}, {pipeline_mode = #tpu.pipeline_mode<synchronous>, transform_indices = @transform_2, window_bounds = array<i64: 1, 128>}, {transform_indices = @transform_3, window_bounds = array<i64: 2, 1000, 1>}, {transform_indices = @transform_4, window_bounds = array<i64: 1000, 128>}, {transform_indices = @transform_5, window_bounds = array<i64: 1000, 1>}]} {
    %get3A = arith.constant 0 : index
    %get3A_0 = arith.constant 0 : index
    %get3A_1 = arith.constant 0 : index
    %get3A_2 = vector.load %arg4[%get3A, %get3A_0, %get3A_1] : memref<2x1000x1xf32, #tpu.memory_space<vmem>>, vector<1x1000x1xf32>
    %get3A_3 = vector.shape_cast %get3A_2 : vector<1x1000x1xf32> to vector<1000x1xf32>
    %get3A_4 = arith.constant 1 : index
    %get3A_5 = arith.constant 0 : index
    %get3A_6 = arith.constant 0 : index
    %get3A_7 = vector.load %arg4[%get3A_4, %get3A_5, %get3A_6] : memref<2x1000x1xf32, #tpu.memory_space<vmem>>, vector<1x1000x1xf32>
    %get3A_8 = vector.shape_cast %get3A_7 : vector<1x1000x1xf32> to vector<1000x1xf32>
    %add3A = arith.addf %get3A_3, %get3A_8 : vector<1000x1xf32>
    %gt3A = arith.constant 0.000000e+00 : f32
    %gt3A_9 = vector.broadcast %gt3A : f32 to vector<1000x1xf32>
    %gt3A_10 = arith.cmpf ogt, %add3A, %gt3A_9 : vector<1000x1xf32>
    %rsqrt3A = math.rsqrt %add3A : vector<1000x1xf32>
    %jit3A = arith.constant 0.000000e+00 : f32
    %broadcast_in_dim3A = vector.broadcast %jit3A : f32 to vector<1000x1xf32>
    %select_n3A = arith.select %gt3A_10, %rsqrt3A, %broadcast_in_dim3A : vector<1000x1xi1>, vector<1000x1xf32>
    %get3A_11 = arith.constant 0 : index
    %get3A_12 = arith.constant 0 : index
    %get3A_13 = vector.load %arg1[%get3A_11, %get3A_12] : memref<1000x128xf32, #tpu.memory_space<vmem>>, vector<1000x128xf32>
    %get3A_14 = arith.constant 0 : index
    %get3A_15 = arith.constant 0 : index
    %get3A_16 = vector.load %arg2[%get3A_14, %get3A_15] : memref<128x128xf32, #tpu.memory_space<vmem>>, vector<128x128xf32>
    %dot_general3A = arith.constant dense<0.000000e+00> : vector<1000x128xf32>
    %dot_general3A_17 = tpu.matmul %get3A_13, %get3A_16, %dot_general3A {dimension_numbers = #tpu.dot_dimension_numbers<[1], [1], [0], [0], [0, 0, 1, 0], [], []>, transpose_lhs_hint = false} : vector<1000x128xf32>, vector<128x128xf32>, vector<1000x128xf32> -> vector<1000x128xf32>
    %get3A_18 = arith.constant 0 : index
    %get3A_19 = arith.constant 0 : index
    %get3A_20 = vector.load %arg3[%get3A_18, %get3A_19] : memref<1x128xf32, #tpu.memory_space<vmem>>, vector<1x128xf32>
    %add3A_21 = vector.broadcast %get3A_20 : vector<1x128xf32> to vector<1000x128xf32>
    %add3A_22 = arith.addf %dot_general3A_17, %add3A_21 : vector<1000x128xf32>
    %mul3A = vector.broadcast %select_n3A : vector<1000x1xf32> to vector<1000x128xf32>
    %mul3A_23 = arith.mulf %add3A_22, %mul3A : vector<1000x128xf32>
    %swap3A = arith.constant 0 : index
    %swap3A_24 = arith.constant 0 : index
    %swap3A_25 = vector.load %arg5[%swap3A, %swap3A_24] : memref<1000x128xf32, #tpu.memory_space<vmem>>, vector<1000x128xf32>
    tpu.vector_store %arg5[%swap3A, %swap3A_24], %mul3A_23 {strides = array<i32>} : memref<1000x128xf32, #tpu.memory_space<vmem>>, vector<1000x128xf32>,
    %swap3A_26 = arith.constant 0 : index
    %swap3A_27 = arith.constant 0 : index
    %swap3A_28 = vector.load %arg6[%swap3A_26, %swap3A_27] : memref<1000x1xf32, #tpu.memory_space<vmem>>, vector<1000x1xf32>
    tpu.vector_store %arg6[%swap3A_26, %swap3A_27], %select_n3A {strides = array<i32>} : memref<1000x1xf32, #tpu.memory_space<vmem>>, vector<1000x1xf32>,
    return
  }
  func.func @transform_0(%arg0: i32) -> (i32, i32) {
    %c0_i32 = arith.constant 0 : i32
    %c0_i32_0 = arith.constant 0 : i32
    return %arg0, %c0_i32 : i32, i32
  }
  func.func @transform_1(%arg0: i32) -> (i32, i32) {
    %c0_i32 = arith.constant 0 : i32
    %c0_i32_0 = arith.constant 0 : i32
    %c0_i32_1 = arith.constant 0 : i32
    return %c0_i32, %c0_i32_0 : i32, i32
  }
  func.func @transform_2(%arg0: i32) -> (i32, i32) {
    %c0_i32 = arith.constant 0 : i32
    %c0_i32_0 = arith.constant 0 : i32
    %c0_i32_1 = arith.constant 0 : i32
    return %c0_i32, %c0_i32_0 : i32, i32
  }
  func.func @transform_3(%arg0: i32) -> (i32, i32, i32) {
    %c0_i32 = arith.constant 0 : i32
    %c0_i32_0 = arith.constant 0 : i32
    %c0_i32_1 = arith.constant 0 : i32
    return %c0_i32, %arg0, %c0_i32_0 : i32, i32, i32
  }
  func.func @transform_4(%arg0: i32) -> (i32, i32) {
    %c0_i32 = arith.constant 0 : i32
    %c0_i32_0 = arith.constant 0 : i32
    return %arg0, %c0_i32 : i32, i32
  }
  func.func @transform_5(%arg0: i32) -> (i32, i32) {
    %c0_i32 = arith.constant 0 : i32
    %c0_i32_0 = arith.constant 0 : i32
    return %arg0, %c0_i32 : i32, i32
  }
}

module attributes {stable_mosaic.version = 14 : i64} {
  func.func @_tc2_body(%arg0: i32, %arg1: memref<2x1000x128xf32, #tpu.memory_space<vmem>>, %arg2: memref<1000x1xf32, #tpu.memory_space<vmem>>, %arg3: memref<1000x128xf32, #tpu.memory_space<vmem>>) attributes {dimension_semantics = [#tpu.dimension_semantics<arbitrary>], iteration_bounds = array<i64: 10>, scalar_prefetch = 0 : i64, scratch_operands = 0 : i64, tpu.core_type = #tpu.core_type<tc>, window_params = [{transform_indices = @transform_0, window_bounds = array<i64: 2, 1000, 128>}, {transform_indices = @transform_1, window_bounds = array<i64: 1000, 1>}, {transform_indices = @transform_2, window_bounds = array<i64: 1000, 128>}]} {
    %get3A = arith.constant 0 : index
    %get3A_0 = arith.constant 0 : index
    %get3A_1 = arith.constant 0 : index
    %get3A_2 = vector.load %arg1[%get3A, %get3A_0, %get3A_1] : memref<2x1000x128xf32, #tpu.memory_space<vmem>>, vector<1x1000x128xf32>
    %get3A_3 = vector.shape_cast %get3A_2 : vector<1x1000x128xf32> to vector<1000x128xf32>
    %get3A_4 = arith.constant 1 : index
    %get3A_5 = arith.constant 0 : index
    %get3A_6 = arith.constant 0 : index
    %get3A_7 = vector.load %arg1[%get3A_4, %get3A_5, %get3A_6] : memref<2x1000x128xf32, #tpu.memory_space<vmem>>, vector<1x1000x128xf32>
    %get3A_8 = vector.shape_cast %get3A_7 : vector<1x1000x128xf32> to vector<1000x128xf32>
    %add3A = arith.addf %get3A_3, %get3A_8 : vector<1000x128xf32>
    %get3A_9 = arith.constant 0 : index
    %get3A_10 = arith.constant 0 : index
    %get3A_11 = vector.load %arg2[%get3A_9, %get3A_10] : memref<1000x1xf32, #tpu.memory_space<vmem>>, vector<1000x1xf32>
    %mul3A = vector.broadcast %get3A_11 : vector<1000x1xf32> to vector<1000x128xf32>
    %mul3A_12 = arith.mulf %add3A, %mul3A : vector<1000x128xf32>
    %swap3A = arith.constant 0 : index
    %swap3A_13 = arith.constant 0 : index
    %swap3A_14 = vector.load %arg3[%swap3A, %swap3A_13] : memref<1000x128xf32, #tpu.memory_space<vmem>>, vector<1000x128xf32>
    tpu.vector_store %arg3[%swap3A, %swap3A_13], %mul3A_12 {strides = array<i32>} : memref<1000x128xf32, #tpu.memory_space<vmem>>, vector<1000x128xf32>,
    return
  }
  func.func @transform_0(%arg0: i32) -> (i32, i32, i32) {
    %c0_i32 = arith.constant 0 : i32
    %c0_i32_0 = arith.constant 0 : i32
    %c0_i32_1 = arith.constant 0 : i32
    return %c0_i32, %arg0, %c0_i32_0 : i32, i32, i32
  }
  func.func @transform_1(%arg0: i32) -> (i32, i32) {
    %c0_i32 = arith.constant 0 : i32
    %c0_i32_0 = arith.constant 0 : i32
    return %arg0, %c0_i32 : i32, i32
  }
  func.func @transform_2(%arg0: i32) -> (i32, i32) {
    %c0_i32 = arith.constant 0 : i32
    %c0_i32_0 = arith.constant 0 : i32
    return %arg0, %c0_i32 : i32, i32
  }
}

</mosaic_0001>

<sc_bundles>
// kernel: kernel.6.cloned.1.call-start
scs
__scs_entry_jumppad:
0x0: {  	(pc) =	sbr.rel $0x88, $3  }
0x1: {  	(tag) =	ssettag $0x0;
	lr =	simm.s32 $0x1  }
0x2: {  	[smem:$0x3F9D] =	sst lr;
	_ =	strace $0xD0000000  }
0x3: {  	_ = 	snop  }
0x4: {  	_ = 	snop  }
0x5: {  	_ = 	snop  }
0x6: {  	_ = 	snop  }
0x7: {  	_ = 	snop  }
__scs_overlays_trampoline_lowered:
0x8: {  	[smem:$0x3FAC] =	sst s0  }
0x9: {  	[smem:$0x3FAD] =	sst s1  }
0xa: {  	[smem:$0x3FAE] =	sst s2  }
0xb: {  	[smem:$0x3FAF] =	sst s3  }
0xc: {  	[smem:$0x3FB0] =	sst s4  }
0xd: {  	[smem:$0x3FB1] =	sst s5  }
0xe: {  	[smem:$0x3FB2] =	sst s6  }
0xf: {  	[smem:$0x3FB3] =	sst s7  }
0x10: {  	[smem:$0x3FB4] =	sst s8  }
0x11: {  	[smem:$0x3FB5] =	sst s9;
	s0 =	simm.s32 @!p0 $0x0  }
0x12: {  	s1 =	sld [smem:$0x3F9B];
	s0 =	simm.s32 @p0 $0x1  }
0x13: {  	[smem:$0x3FB6] =	sst s0;
	s0 =	simm.s32 @!p1 $0x0  }
0x14: {  	s2 =	sld [smem:$0x3F9A];
	s0 =	simm.s32 @p1 $0x1  }
0x15: {  	[smem:$0x3FB7] =	sst s0;
	s0 =	simm.s32 @!p2 $0x0  }
0x16: {  	s3 =	sld [smem:$0x3FDB];
	s0 =	simm.s32 @p2 $0x1  }
0x17: {  	s4 =	simm.s32 $0x1BF5;
	[smem:$0x3FB9] =	sst s0  }
0x18: {  	s0 =	sld [smem:$0x3F9C];
	_ =	swait.ge [sflag:s4], $0x0  }
0x19: {  	s7 =	sld [smem:$0x3F9D]  }
0x1a: {  	s8 =	sadd.s32 $0xFFFFE003, lr  }
0x1b: {  	s9 =	sadd.s32 $0xFFFFFEF7, lr;
	s5 =	simm.s32 $0xFFFFFFFF;
	p2 =	slt.u32 s8, $0xFFFFF086  }
0x1c: {  	p1 =	slt.u32 s9, $0xF7A;
	s5 =	simm.s32 @!p2 $0x0  }
0x1d: {  	s5 =	simm.s32 @p1 $0x1;
	p0 =	seq.s32 s7, s2  }
0x1e: {  	s7 =	smul.u32 @!p0 $0xF7A, s2;
	p2 =	seq.s32 @!p0 s5, $0x0  }
0x1f: {  	s9 =	smul.u32 $0xF7A, s1;
	s8 =	simm.s32 @!p0 $0x1BF5;
	p2 =	por !p2, p0  }
0x20: {  	[sflag:s8] =	ssyncset.s32 @!p0 $0xFFFFF086;
	s6 =	sadd.s32 @!p0 s3, s7;
	s7 =	simm.s32 @!p0 $0x108  }
0x21: {  	s3 =	sadd.s32 s3, s9;
	s6 =	sadd.s32 @!p0 $0x88, s6;
	s7 =	simm.s32 @p2 $0x1082  }
0x22: {  	[simem:s7], [sflag:s8] =	dma.local @!p0 [hbm:s6], $0xF7A  }
0x23: {  	s9 =	sor.u32 $0xD0000000, s2;
	s6 =	simm.s32 $0x108;
	_ =	swait.ge @!p0 [sflag:s8], $0x0  }
0x24: {  	s3 =	sadd.s32 $0x88, s3;
	s6 =	simm.s32 @!p1 $0x1082;
	[sflag:s4] =	ssyncset.s32 $0xFFFFF086  }
0x25: {  	[simem:s6], [sflag:s4] =	dma.local [hbm:s3], $0xF7A  }
0x26: {  	[smem:$0x3F9D] =	sst s1;
	(tag) =	ssettag s2;
	_ =	strace s9  }
0x27: {  	s1 =	sld [smem:$0x3FAD]  }
0x28: {  	s2 =	sld [smem:$0x3FAE]  }
0x29: {  	s4 =	sld [smem:$0x3FB0]  }
0x2a: {  	p0 =	seq.s32 s5, $0x0;
	s5 =	sld [smem:$0x3FB1]  }
0x2b: {  	s6 =	sld [smem:$0x3FB2]  }
0x2c: {  	s7 =	sld [smem:$0x3FB3]  }
0x2d: {  	s3 =	simm.s32 $0x108;
	s8 =	sld [smem:$0x3FB4]  }
0x2e: {  	s3 =	simm.s32 @!p0 $0x1082;
	s9 =	sld [smem:$0x3FB5]  }
0x2f: {  	lr =	sadd.s32 s0, s3;
	s0 =	sld [smem:$0x3FAC]  }
0x30: {  	s3 =	sld [smem:$0x3FAF]  }
0x31: {  	[smem:$0x3FB8] =	sst s10  }
0x32: {  	s10 =	sld [smem:$0x3FB6];
	_ =	sdelay $0x3  }
0x33: {  	p0 =	seq.s32 s10, $0x1;
	s10 =	sld [smem:$0x3FB8];
	_ =	sdelay $0x3  }
0x34: {  	[smem:$0x3FB8] =	sst s10  }
0x35: {  	s10 =	sld [smem:$0x3FB7];
	_ =	sdelay $0x3  }
0x36: {  	p1 =	seq.s32 s10, $0x1;
	s10 =	sld [smem:$0x3FB8];
	_ =	sdelay $0x3  }
0x37: {  	[smem:$0x3FB8] =	sst s10  }
0x38: {  	s10 =	sld [smem:$0x3FB9]  }
0x39: {  	_ = 	snop;
	(pc) =	sbr.ind lr, $3  }
0x3a: {  	_ = 	snop  }
0x3b: {  	_ = 	snop  }
0x3c: {  	p2 =	seq.s32 s10, $0x1;
	s10 =	sld [smem:$0x3FB8]  }
0x3d: {  	_ =	shalt  }
0x3e: {  	_ =	shalt  }
0x3f: {  	_ =	shalt  }
0x40: {  	_ =	shalt  }
0x41: {  	_ =	shalt  }
0x42: {  	_ =	shalt  }
0x43: {  	_ =	shalt  }
0x44: {  	_ =	shalt  }
0x45: {  	_ =	shalt  }
0x46: {  	_ =	shalt  }
0x47: {  	_ =	shalt  }
0x48: {  	_ =	shalt  }
0x49: {  	_ =	shalt  }
0x4a: {  	_ =	shalt  }
0x4b: {  	_ =	shalt  }
0x4c: {  	_ =	shalt  }
0x4d: {  	_ =	shalt  }
0x4e: {  	_ =	shalt  }
0x4f: {  	_ =	shalt  }
0x50: {  	_ =	shalt  }
0x51: {  	_ =	shalt  }
0x52: {  	_ =	shalt  }
0x53: {  	_ =	shalt  }
0x54: {  	_ =	shalt  }
0x55: {  	_ =	shalt  }
0x56: {  	_ =	shalt  }
0x57: {  	_ =	shalt  }
0x58: {  	_ =	shalt  }
0x59: {  	_ =	shalt  }
0x5a: {  	_ =	shalt  }
0x5b: {  	_ =	shalt  }
0x5c: {  	_ =	shalt  }
0x5d: {  	_ =	shalt  }
0x5e: {  	_ =	shalt  }
0x5f: {  	_ =	shalt  }
0x60: {  	_ =	shalt  }
0x61: {  	_ =	shalt  }
0x62: {  	_ =	shalt  }
0x63: {  	_ =	shalt  }
0x64: {  	_ =	shalt  }
0x65: {  	_ =	shalt  }
0x66: {  	_ =	shalt  }
0x67: {  	_ =	shalt  }
0x68: {  	_ =	shalt  }
0x69: {  	_ =	shalt  }
0x6a: {  	_ =	shalt  }
0x6b: {  	_ =	shalt  }
0x6c: {  	_ =	shalt  }
0x6d: {  	_ =	shalt  }
0x6e: {  	_ =	shalt  }
0x6f: {  	_ =	shalt  }
0x70: {  	_ =	shalt  }
0x71: {  	_ =	shalt  }
0x72: {  	_ =	shalt  }
0x73: {  	_ =	shalt  }
0x74: {  	_ =	shalt  }
0x75: {  	_ =	shalt  }
0x76: {  	_ =	shalt  }
0x77: {  	_ =	shalt  }
0x78: {  	_ =	shalt  }
0x79: {  	_ =	shalt  }
0x7a: {  	_ =	shalt  }
0x7b: {  	_ =	shalt  }
0x7c: {  	_ =	shalt  }
0x7d: {  	_ =	shalt  }
0x7e: {  	_ =	shalt  }
0x7f: {  	_ =	shalt  }
0x80: {  	_ =	shalt  }
0x81: {  	_ =	shalt  }
0x82: {  	_ =	shalt  }
0x83: {  	_ =	shalt  }
0x84: {  	_ =	shalt  }
0x85: {  	_ =	shalt  }
0x86: {  	_ =	shalt  }
0x87: {  	_ =	shalt  }
.Lfunc_end0:
.L_simem_size_0:
called_computation_lowered:
.L_overlay_start_0:
0x88: {  	s2 =	sld [smem:$0x3FD9]  }
0x89: {  	s3 =	sld [smem:$0x3FFE];
	_ =	sdelay $0x1  }
0x8a: {  	s1 =	srdreg.scid  }
0x8b: {  	s0 =	sand.u32 $0x1, s1  }
0x8c: {  	s17 =	sshll.u32 s0, $0xA;
	s2 =	sadd.s32 s3, s2  }
0x8d: {  	s2 =	sadd.s32 s2, s17  }
0x8e: {  	[smem:$0x3FC4] =	sst s2  }
0x8f: {  	_ = 	snop  }
0x90: {  	s2 =	sld [smem:$0x3FD0];
	(tm) =	ssettm $0x1  }
0x91: {  	s18 =	sld [smem:$0x3FFB];
	_ =	sdelay $0x3  }
0x92: {  	_ =	strace s18  }
0x93: {  	s3 =	sld [smem:$0x3FFC];
	_ =	sdelay $0x3  }
0x94: {  	_ =	strace s3  }
0x95: {  	s3 =	sld [smem:$0x3FFD];
	_ =	sdelay $0x3  }
0x96: {  	_ =	strace s3  }
0x97: {  	_ =	strace $0x8FFFFFFF  }
0x98: {  	s19 =	sld [smem:$0x3FDB];
	_ =	sdelay $0x1  }
0x99: {  	s4 =	simm.s32 $_scs_section_size  }
0x9a: {  	s5 =	simm.s32 $_size__tile_overlayer_lowered;
	s6 =	simm.s32 $_tile_overlayer_lowered  }
0x9b: {  	s22 =	simm.s32 $0x1BFF;
	s21 =	sshll.u32 s6, $0x1;
	s3 =	sadd.s32 s4, s19  }
0x9c: {  	s7 =	simm.s32 $0x0;
	s20 =	sshll.u32 s5, $0x1;
	s5 =	sadd.s32 s21, s3  }
0x9d: {  	[timem:s7], [sflag:s22] =	dma.local [hbm:s5], s20  }
0x9e: {  	_ =	swait.ge [sflag:s22], s20  }
0x9f: {  	s4 =	ssub.s32 $0x0, s20;
	[sflag:s22] =	ssyncset.done $0x0  }
0xa0: {  	[sflag:s22] =	ssyncadd.s32 s4;
	_ =	sdelay $0x1  }
0xa1: {  	s23 =	simm.s32 $0x1B8B  }
0xa2: {  	_ =	swait.ge [sflag:s23], $0x1  }
0xa3: {  	[sflag:s23] =	ssyncset.done $0x0  }
0xa4: {  	s25 =	simm.s32 $0x1B8E;
	s24 =	sld [smem:$0x3FFE];
	[sflag:s23] =	ssyncadd.s32 $0xFFFFFFFF  }
0xa5: {  	s26 =	simm.s32 $execute0_lowered;
	[smem:$0x3FD2] =	sst s25  }
0xa6: {  	s5 =	sshll.u32 s26, $0x1;
	_ =	strace $0x80000046;
	[dreg:$0x1] =	wrdreg $0xFFFFFFFF  }
0xa7: {  	s28 =	simm.s32 $_size_execute0_lowered;
	s3 =	sadd.s32 s3, s5;
	[dreg:$0x0] =	wrdreg $0x0  }
0xa8: {  	s5 =	sshll.u32 s28, $0x1;
	[dreg:$0x2] =	wrdreg s3  }
0xa9: {  	[dreg:$0x3] =	wrdreg s5  }
0xaa: {  	[dreg:$0x4] =	wrdreg $0xC0  }
0xab: {  	_ =	task [dreg:s7], $0x5FFFF  }
0xac: {  	[dreg:$0x1] =	wrdreg $0xFFFFFFFF  }
0xad: {  	[dreg:$0x0] =	wrdreg $0x60  }
0xae: {  	[dreg:$0x2] =	wrdreg s24  }
0xaf: {  	[dreg:$0x3] =	wrdreg s2  }
0xb0: {  	[dreg:$0x4] =	wrdreg $0x28800  }
0xb1: {  	[dreg:$0x5] =	wrdreg $0x9  }
0xb2: {  	_ =	task.clear_ibuf [dreg:s7], $0x6FFFF;
	_ =	strace $0x90000046  }
0xb3: {  	s29 =	simm.s32 $0x9;
	_ =	strace $0x80000048  }
0xb4: {  	_ =	swait.ge [sflag:s29], $0x1  }
0xb5: {  	[sflag:s29] =	ssyncadd.s32 $0xFFFFFFFF  }
0xb6: {  	_ =	strace $0x90000048  }
0xb7: {  	_ =	sfence  }
0xb8: {  	s30 =	sld [smem:$0x0];
	_ =	sdelay $0x2  }
0xb9: {  	s31 =	sshll.u32 s1, $0xD;
	s1 =	sshrl.u32 s1, $0x2  }
0xba: {  	s3 =	sand.u32 $0x4000, s31;
	s1 =	sadd.s32 s1, s30  }
0xbb: {  	s0 =	sor.u32 s3, s0;
	s1 =	sshll.u32 s1, $0x11  }
0xbc: {  	s0 =	sor.u32 s1, s0  }
0xbd: {  	s0 =	sadd.s32 $0x8F2B, s0  }
0xbe: {  	[sflag:s0] =	ssyncadd.remote.s32 $0x1  }
0xbf: {  	_ =	sfence.sel $0xFFFF  }
0xc0: {  	[dreg:$0x0] =	wrdreg $0xFFFFFFFF;
	(pc) =	sbr.abs _section_cstart, $3  }
0xc1: {  	[dreg:$0x1] =	wrdreg $0xFFFFFFFF  }
0xc2: {  	_ =	task.clear_ibuf [dreg:s7], $0x2FFFF;
	_ =	strace $0x9FFFFFFF  }
0xc3: {  	(tm) =	ssettm $0x7FFFFFFF  }
tec
execute0_lowered:
.L_overlay_start_1:
0x0: {  	(tag) =	ssettag $0x1  }
0x1: {  	s3 =	rddreg [dreg:$0x0]  }
0x2: {  	s0 =	srdreg.scid;
	s6 =	rddreg [dreg:$0x1]  }
0x3: {  	s1 =	rddreg [dreg:$0x2];
	s11 =	stileid.u32;
	s2 =	simm.s32 $0x0  }
0x4: {  	s13 =	simm.s32 $0x0;
	s4 =	sand.u32 $0x1, s0;
	s0 =	rddreg [dreg:$0x3]  }
0x5: {  	[smem:$0x7FF] =	sst s2;
	s8 =	smul.u32 $0xA00, s11;
	s31 =	sshll.u32 s11, $0x6  }
0x6: {  	p0 =	sne.s32 s11, $0x0;
	s7 =	sshll.u32 s4, $0x4;
	_ =	strace $0x80000047  }
0x7: {  	s4 =	ssub.s32 $0x2, s4;
	s12 =	sshrl.u32 @!p0 s1, $0x3;
	s5 =	sor.u32 s11, s7  }
0x8: {  	s9 =	sshrl.u32 s4, $0x1;
	s30 =	sshrl.u32 s8, $0x2;
	s6 =	sadd.s32 s6, s7  }
0x9: {  	s11 =	simm.s32 $0x2800;
	s5 =	smul.u32 $0x500, s5;
	s9 =	ssub.s32 s4, s9  }
0xa: {  	s10 =	sadd.s32 s30, s1;
	s4 =	sor.u32 $0x1C01, s31;
	s7 =	smax.u32 s9, $0x1  }
0xb: {  	s8 =	sshrl.u32 s10, $0x3;
	s9 =	simm.s32 $0x1;
	s5 =	sadd.s32 s5, s3  }
0xc: {  	v0 =	vimm.f32 $1.000000000e+00;
	s10 =	simm.s32 $0x80;
	s3 =	sadd.s32 $0xB200, s3;
	s5 =	sadd.s32 $0x1200, s5  }
.LBB2_1:
0xd: {  	[tilespmem:$0x2800] =	vst v0  }
0xe: {  	[tilespmem:$0x2810] =	vst v0  }
0xf: {  	[tilespmem:$0x2820] =	vst v0  }
0x10: {  	[tilespmem:$0x2830] =	vst v0  }
0x11: {  	[tilespmem:$0x2840] =	vst v0  }
0x12: {  	[tilespmem:$0x2850] =	vst v0  }
0x13: {  	[tilespmem:$0x2860] =	vst v0  }
0x14: {  	[tilespmem:$0x2870] =	vst v0  }
0x15: {  	[spmem:s8], [sflag:s4] =	dma.local [hbm:s3], $0x50  }
0x16: {  	_ =	swait.ge [sflag:s9], $0x50  }
0x17: {  	[sflag:s9] =	ssyncset.done $0x0  }
0x18: {  	[sflag:s9] =	ssyncadd.s32 $0xFFFFFFB0  }
0x19: {  	[tilespmem:s2], [sflag:$0x1] =	stream.linear.gather [hbm4b:s5+s2], $0x2780, $0x38;
	[tilespmem:$0x2B00] =	vst v63  }
0x1a: {  	_ =	swait.ge [sflag:s9], $0x2780  }
0x1b: {  	[sflag:s9] =	ssyncset.done $0x0  }
0x1c: {  	[sflag:s9] =	ssyncadd.s32 $0xFFFFD880  }
0x1d: {  	s14 =	simm.s32 $0x0;
	[bflag:$0x0] =	sbarrier.arrive $0xFFFF  }
0x1e: {  	[spmem:s1] =	stream.indirect.scatter.add.f32 [tilespmem:s11], [sflag:$0x1], $0x1, s14, s10, $0xb8;
	[tilespmem:$0x2B00] =	vst v63  }
0x1f: {  	_ =	swait.ge [sflag:s9], $0x80  }
0x20: {  	s14 =	simm.s32 $0x200;
	[sflag:s9] =	ssyncset.done $0x0  }
.LBB2_2:
0x21: {  	s15 =	sshra.s32 s14, $0x2;
	[sflag:s9] =	ssyncadd.s32 $0xFFFFFF80;
	p1 =	sne.s32 s14, $0x9C00  }
0x22: {  	[spmem:s1] =	stream.indirect.scatter.add.f32 [tilespmem:s11], [sflag:$0x1], $0x1, s15, s10, $0xb8;
	[tilespmem:$0x2B00] =	vst v63  }
.Ltmp0:
0x23: {  	_ = 	snop;
	(pc) =	sbr.rel @p1 .LBB2_2-.Ltmp0, $4  }
0x24: {  	_ = 	snop  }
0x25: {  	s14 =	sadd.s32 $0x200, s14  }
0x26: {  	_ =	swait.ge [sflag:s9], $0x80  }
0x27: {  	[sflag:s9] =	ssyncset.done $0x0  }
0x28: {  	[sflag:s9] =	ssyncadd.s32 $0xFFFFFF80;
	s13 =	sadd.s32 $0x1, s13  }
0x29: {  	s14 =	simm.s32 @!p0 $0x1;
	s15 =	simm.s32 @!p0 $0x20;
	p1 =	sne.s32 s13, s7  }
.Ltmp1:
0x2a: {  	s16 =	simm.s32 @!p0 $0x10;
	[bflag:$0x0] =	sbarrier.arrive $0xFFFF;
	(pc) =	sbr.rel @p1 .LBB2_1-.Ltmp1, $4  }
0x2b: {  	[hbm:s6@s15], [sflag:s4] =	dma.strided @!p0 [spmem:s12@s16], $0x500, s14, $0x10   }
0x2c: {  	_ =	swait.ge @!p0 [sflag:s14], $0x500  }
0x2d: {  	[sflag:s14] =	ssyncset.done @!p0 $0x0  }
0x2e: {  	[sflag:s14] =	ssyncadd.s32 @!p0 $0xFFFFFB00  }
0x2f: {  	_ =	sfence.sel $0x180000  }
0x30: {  	[bflag:$0x0] =	sbarrier.arrive $0xFFFF  }
0x31: {  	_ =	strace $0x90000047  }
0x32: {  	s0 =	sadd.s32 @!p0 $0x100000, s0;
	[bflag:$0x2] =	sbarrier.arrive $0xFFFF  }
0x33: {  	[sflag:s0] =	ssyncadd.tile.s32 @!p0 $0x1;
	_ =	shalt  }
.Lfunc_end2:
_tile_overlayer_lowered:
.L_overlay_start_2:
0x34: {  	(tag) =	ssettag $0x2  }
0x35: {  	s0 =	rddreg [dreg:$0x0];
	s2 =	stileid.u32  }
0x36: {  	s1 =	rddreg [dreg:$0x1];
	p0 =	sne.s32 s2, $0x0  }
0x37: {  	s3 =	rddreg [dreg:$0x2];
	[bflag:$0x3] =	sbarrier.arrive $0xFFFF;
	s2 =	simm.s32 @!p0 $0x1C01  }
0x38: {  	[timem:s3], [sflag:s2] =	dma.local @!p0 [hbm:s0], s1  }
0x39: {  	s0 =	simm.s32 @!p0 $0x1  }
0x3a: {  	_ =	swait.ge @!p0 [sflag:s0], s1  }
0x3b: {  	s1 =	ssub.s32 @!p0 $0x0, s1;
	[sflag:s0] =	ssyncset.done @!p0 $0x0  }
0x3c: {  	[sflag:s0] =	ssyncadd.s32 @!p0 s1  }
0x3d: {  	[bflag:$0x3] =	sbarrier.arrive $0xFFFF  }
0x3e: {  	_ =	shalt  }

// kernel: kernel.9.cloned.1.call-start
scs
__scs_entry_jumppad:
0x0: {  	(pc) =	sbr.rel $0x88, $3  }
0x1: {  	(tag) =	ssettag $0x0;
	lr =	simm.s32 $0x1  }
0x2: {  	[smem:$0x3F9D] =	sst lr;
	_ =	strace $0xD0000000  }
0x3: {  	_ = 	snop  }
0x4: {  	_ = 	snop  }
0x5: {  	_ = 	snop  }
0x6: {  	_ = 	snop  }
0x7: {  	_ = 	snop  }
__scs_overlays_trampoline_lowered:
0x8: {  	[smem:$0x3FAC] =	sst s0  }
0x9: {  	[smem:$0x3FAD] =	sst s1  }
0xa: {  	[smem:$0x3FAE] =	sst s2  }
0xb: {  	[smem:$0x3FAF] =	sst s3  }
0xc: {  	[smem:$0x3FB0] =	sst s4  }
0xd: {  	[smem:$0x3FB1] =	sst s5  }
0xe: {  	[smem:$0x3FB2] =	sst s6  }
0xf: {  	[smem:$0x3FB3] =	sst s7  }
0x10: {  	[smem:$0x3FB4] =	sst s8  }
0x11: {  	[smem:$0x3FB5] =	sst s9;
	s0 =	simm.s32 @!p0 $0x0  }
0x12: {  	s1 =	sld [smem:$0x3F9B];
	s0 =	simm.s32 @p0 $0x1  }
0x13: {  	[smem:$0x3FB6] =	sst s0;
	s0 =	simm.s32 @!p1 $0x0  }
0x14: {  	s2 =	sld [smem:$0x3F9A];
	s0 =	simm.s32 @p1 $0x1  }
0x15: {  	[smem:$0x3FB7] =	sst s0;
	s0 =	simm.s32 @!p2 $0x0  }
0x16: {  	s3 =	sld [smem:$0x3FDB];
	s0 =	simm.s32 @p2 $0x1  }
0x17: {  	s4 =	simm.s32 $0x1BF5;
	[smem:$0x3FB9] =	sst s0  }
0x18: {  	s0 =	sld [smem:$0x3F9C];
	_ =	swait.ge [sflag:s4], $0x0  }
0x19: {  	s7 =	sld [smem:$0x3F9D]  }
0x1a: {  	s8 =	sadd.s32 $0xFFFFE003, lr  }
0x1b: {  	s9 =	sadd.s32 $0xFFFFFEF7, lr;
	s5 =	simm.s32 $0xFFFFFFFF;
	p2 =	slt.u32 s8, $0xFFFFF086  }
0x1c: {  	p1 =	slt.u32 s9, $0xF7A;
	s5 =	simm.s32 @!p2 $0x0  }
0x1d: {  	s5 =	simm.s32 @p1 $0x1;
	p0 =	seq.s32 s7, s2  }
0x1e: {  	s7 =	smul.u32 @!p0 $0xF7A, s2;
	p2 =	seq.s32 @!p0 s5, $0x0  }
0x1f: {  	s9 =	smul.u32 $0xF7A, s1;
	s8 =	simm.s32 @!p0 $0x1BF5;
	p2 =	por !p2, p0  }
0x20: {  	[sflag:s8] =	ssyncset.s32 @!p0 $0xFFFFF086;
	s6 =	sadd.s32 @!p0 s3, s7;
	s7 =	simm.s32 @!p0 $0x108  }
0x21: {  	s3 =	sadd.s32 s3, s9;
	s6 =	sadd.s32 @!p0 $0x88, s6;
	s7 =	simm.s32 @p2 $0x1082  }
0x22: {  	[simem:s7], [sflag:s8] =	dma.local @!p0 [hbm:s6], $0xF7A  }
0x23: {  	s9 =	sor.u32 $0xD0000000, s2;
	s6 =	simm.s32 $0x108;
	_ =	swait.ge @!p0 [sflag:s8], $0x0  }
0x24: {  	s3 =	sadd.s32 $0x88, s3;
	s6 =	simm.s32 @!p1 $0x1082;
	[sflag:s4] =	ssyncset.s32 $0xFFFFF086  }
0x25: {  	[simem:s6], [sflag:s4] =	dma.local [hbm:s3], $0xF7A  }
0x26: {  	[smem:$0x3F9D] =	sst s1;
	(tag) =	ssettag s2;
	_ =	strace s9  }
0x27: {  	s1 =	sld [smem:$0x3FAD]  }
0x28: {  	s2 =	sld [smem:$0x3FAE]  }
0x29: {  	s4 =	sld [smem:$0x3FB0]  }
0x2a: {  	p0 =	seq.s32 s5, $0x0;
	s5 =	sld [smem:$0x3FB1]  }
0x2b: {  	s6 =	sld [smem:$0x3FB2]  }
0x2c: {  	s7 =	sld [smem:$0x3FB3]  }
0x2d: {  	s3 =	simm.s32 $0x108;
	s8 =	sld [smem:$0x3FB4]  }
0x2e: {  	s3 =	simm.s32 @!p0 $0x1082;
	s9 =	sld [smem:$0x3FB5]  }
0x2f: {  	lr =	sadd.s32 s0, s3;
	s0 =	sld [smem:$0x3FAC]  }
0x30: {  	s3 =	sld [smem:$0x3FAF]  }
0x31: {  	[smem:$0x3FB8] =	sst s10  }
0x32: {  	s10 =	sld [smem:$0x3FB6];
	_ =	sdelay $0x3  }
0x33: {  	p0 =	seq.s32 s10, $0x1;
	s10 =	sld [smem:$0x3FB8];
	_ =	sdelay $0x3  }
0x34: {  	[smem:$0x3FB8] =	sst s10  }
0x35: {  	s10 =	sld [smem:$0x3FB7];
	_ =	sdelay $0x3  }
0x36: {  	p1 =	seq.s32 s10, $0x1;
	s10 =	sld [smem:$0x3FB8];
	_ =	sdelay $0x3  }
0x37: {  	[smem:$0x3FB8] =	sst s10  }
0x38: {  	s10 =	sld [smem:$0x3FB9]  }
0x39: {  	_ = 	snop;
	(pc) =	sbr.ind lr, $3  }
0x3a: {  	_ = 	snop  }
0x3b: {  	_ = 	snop  }
0x3c: {  	p2 =	seq.s32 s10, $0x1;
	s10 =	sld [smem:$0x3FB8]  }
0x3d: {  	_ =	shalt  }
0x3e: {  	_ =	shalt  }
0x3f: {  	_ =	shalt  }
0x40: {  	_ =	shalt  }
0x41: {  	_ =	shalt  }
0x42: {  	_ =	shalt  }
0x43: {  	_ =	shalt  }
0x44: {  	_ =	shalt  }
0x45: {  	_ =	shalt  }
0x46: {  	_ =	shalt  }
0x47: {  	_ =	shalt  }
0x48: {  	_ =	shalt  }
0x49: {  	_ =	shalt  }
0x4a: {  	_ =	shalt  }
0x4b: {  	_ =	shalt  }
0x4c: {  	_ =	shalt  }
0x4d: {  	_ =	shalt  }
0x4e: {  	_ =	shalt  }
0x4f: {  	_ =	shalt  }
0x50: {  	_ =	shalt  }
0x51: {  	_ =	shalt  }
0x52: {  	_ =	shalt  }
0x53: {  	_ =	shalt  }
0x54: {  	_ =	shalt  }
0x55: {  	_ =	shalt  }
0x56: {  	_ =	shalt  }
0x57: {  	_ =	shalt  }
0x58: {  	_ =	shalt  }
0x59: {  	_ =	shalt  }
0x5a: {  	_ =	shalt  }
0x5b: {  	_ =	shalt  }
0x5c: {  	_ =	shalt  }
0x5d: {  	_ =	shalt  }
0x5e: {  	_ =	shalt  }
0x5f: {  	_ =	shalt  }
0x60: {  	_ =	shalt  }
0x61: {  	_ =	shalt  }
0x62: {  	_ =	shalt  }
0x63: {  	_ =	shalt  }
0x64: {  	_ =	shalt  }
0x65: {  	_ =	shalt  }
0x66: {  	_ =	shalt  }
0x67: {  	_ =	shalt  }
0x68: {  	_ =	shalt  }
0x69: {  	_ =	shalt  }
0x6a: {  	_ =	shalt  }
0x6b: {  	_ =	shalt  }
0x6c: {  	_ =	shalt  }
0x6d: {  	_ =	shalt  }
0x6e: {  	_ =	shalt  }
0x6f: {  	_ =	shalt  }
0x70: {  	_ =	shalt  }
0x71: {  	_ =	shalt  }
0x72: {  	_ =	shalt  }
0x73: {  	_ =	shalt  }
0x74: {  	_ =	shalt  }
0x75: {  	_ =	shalt  }
0x76: {  	_ =	shalt  }
0x77: {  	_ =	shalt  }
0x78: {  	_ =	shalt  }
0x79: {  	_ =	shalt  }
0x7a: {  	_ =	shalt  }
0x7b: {  	_ =	shalt  }
0x7c: {  	_ =	shalt  }
0x7d: {  	_ =	shalt  }
0x7e: {  	_ =	shalt  }
0x7f: {  	_ =	shalt  }
0x80: {  	_ =	shalt  }
0x81: {  	_ =	shalt  }
0x82: {  	_ =	shalt  }
0x83: {  	_ =	shalt  }
0x84: {  	_ =	shalt  }
0x85: {  	_ =	shalt  }
0x86: {  	_ =	shalt  }
0x87: {  	_ =	shalt  }
.Lfunc_end0:
.L_simem_size_0:
called_computation.1_lowered:
.L_overlay_start_0:
0x88: {  	s2 =	sld [smem:$0x3FD9]  }
0x89: {  	s3 =	sld [smem:$0x3FFE];
	_ =	sdelay $0x1  }
0x8a: {  	s1 =	srdreg.scid  }
0x8b: {  	s0 =	sand.u32 $0x1, s1  }
0x8c: {  	s17 =	sshll.u32 s0, $0xA;
	s2 =	sadd.s32 s3, s2  }
0x8d: {  	s2 =	sadd.s32 s2, s17  }
0x8e: {  	[smem:$0x3FC4] =	sst s2  }
0x8f: {  	_ = 	snop  }
0x90: {  	s2 =	sld [smem:$0x3FD0];
	(tm) =	ssettm $0x1  }
0x91: {  	s18 =	sld [smem:$0x3FFB];
	_ =	sdelay $0x3  }
0x92: {  	_ =	strace s18  }
0x93: {  	s3 =	sld [smem:$0x3FFC];
	_ =	sdelay $0x3  }
0x94: {  	_ =	strace s3  }
0x95: {  	s3 =	sld [smem:$0x3FFD];
	_ =	sdelay $0x3  }
0x96: {  	_ =	strace s3  }
0x97: {  	_ =	strace $0x8FFFFFFF  }
0x98: {  	s19 =	sld [smem:$0x3FDB];
	_ =	sdelay $0x1  }
0x99: {  	s4 =	simm.s32 $_scs_section_size  }
0x9a: {  	s5 =	simm.s32 $_size__tile_overlayer_lowered;
	s6 =	simm.s32 $_tile_overlayer_lowered  }
0x9b: {  	s22 =	simm.s32 $0x1BFF;
	s21 =	sshll.u32 s6, $0x1;
	s3 =	sadd.s32 s4, s19  }
0x9c: {  	s7 =	simm.s32 $0x0;
	s20 =	sshll.u32 s5, $0x1;
	s5 =	sadd.s32 s21, s3  }
0x9d: {  	[timem:s7], [sflag:s22] =	dma.local [hbm:s5], s20  }
0x9e: {  	_ =	swait.ge [sflag:s22], s20  }
0x9f: {  	s4 =	ssub.s32 $0x0, s20;
	[sflag:s22] =	ssyncset.done $0x0  }
0xa0: {  	[sflag:s22] =	ssyncadd.s32 s4;
	_ =	sdelay $0x1  }
0xa1: {  	s23 =	simm.s32 $0x1B8B  }
0xa2: {  	_ =	swait.ge [sflag:s23], $0x1  }
0xa3: {  	[sflag:s23] =	ssyncset.done $0x0  }
0xa4: {  	s25 =	simm.s32 $0x1B8E;
	s24 =	sld [smem:$0x3FFE];
	[sflag:s23] =	ssyncadd.s32 $0xFFFFFFFF  }
0xa5: {  	s26 =	simm.s32 $execute0_lowered;
	[smem:$0x3FD2] =	sst s25  }
0xa6: {  	s5 =	sshll.u32 s26, $0x1;
	_ =	strace $0x80000049;
	[dreg:$0x1] =	wrdreg $0xFFFFFFFF  }
0xa7: {  	s28 =	simm.s32 $_size_execute0_lowered;
	s3 =	sadd.s32 s3, s5;
	[dreg:$0x0] =	wrdreg $0x0  }
0xa8: {  	s5 =	sshll.u32 s28, $0x1;
	[dreg:$0x2] =	wrdreg s3  }
0xa9: {  	[dreg:$0x3] =	wrdreg s5  }
0xaa: {  	[dreg:$0x4] =	wrdreg $0xC0  }
0xab: {  	_ =	task [dreg:s7], $0x5FFFF  }
0xac: {  	[dreg:$0x1] =	wrdreg $0xFFFFFFFF  }
0xad: {  	[dreg:$0x0] =	wrdreg $0x60  }
0xae: {  	[dreg:$0x2] =	wrdreg s2  }
0xaf: {  	[dreg:$0x3] =	wrdreg s24  }
0xb0: {  	[dreg:$0x4] =	wrdreg $0x90000  }
0xb1: {  	[dreg:$0x5] =	wrdreg $0x9  }
0xb2: {  	_ =	task.clear_ibuf [dreg:s7], $0x6FFFF;
	_ =	strace $0x90000049  }
0xb3: {  	s29 =	simm.s32 $0x9;
	_ =	strace $0x8000004B  }
0xb4: {  	_ =	swait.ge [sflag:s29], $0x1  }
0xb5: {  	[sflag:s29] =	ssyncadd.s32 $0xFFFFFFFF  }
0xb6: {  	_ =	strace $0x9000004B  }
0xb7: {  	_ =	sfence  }
0xb8: {  	s30 =	sld [smem:$0x0];
	_ =	sdelay $0x2  }
0xb9: {  	s31 =	sshll.u32 s1, $0xD;
	s1 =	sshrl.u32 s1, $0x2  }
0xba: {  	s3 =	sand.u32 $0x4000, s31;
	s1 =	sadd.s32 s1, s30  }
0xbb: {  	s0 =	sor.u32 s3, s0;
	s1 =	sshll.u32 s1, $0x11  }
0xbc: {  	s0 =	sor.u32 s1, s0  }
0xbd: {  	s0 =	sadd.s32 $0x8F2B, s0  }
0xbe: {  	[sflag:s0] =	ssyncadd.remote.s32 $0x1  }
0xbf: {  	_ =	sfence.sel $0xFFFF  }
0xc0: {  	[dreg:$0x0] =	wrdreg $0xFFFFFFFF;
	(pc) =	sbr.abs _section_cstart, $3  }
0xc1: {  	[dreg:$0x1] =	wrdreg $0xFFFFFFFF  }
0xc2: {  	_ =	task.clear_ibuf [dreg:s7], $0x2FFFF;
	_ =	strace $0x9FFFFFFF  }
0xc3: {  	(tm) =	ssettm $0x7FFFFFFF  }
tec
execute0_lowered:
.L_overlay_start_1:
0x0: {  	(tag) =	ssettag $0x1  }
0x1: {  	s2 =	rddreg [dreg:$0x0]  }
0x2: {  	s6 =	rddreg [dreg:$0x1]  }
0x3: {  	s0 =	srdreg.scid;
	s3 =	rddreg [dreg:$0x2];
	s4 =	simm.s32 $0x0  }
0x4: {  	s14 =	simm.s32 $0x80;
	s15 =	simm.s32 $0x5000;
	s5 =	sand.u32 $0x1, s0  }
0x5: {  	s16 =	simm.s32 $0x0;
	s0 =	stileid.u32;
	s8 =	smul.u32 $0x140000, s5  }
0x6: {  	[smem:$0x7FF] =	sst s4;
	s1 =	sshll.u32 s5, $0x4;
	s9 =	smul.u32 $0x14000, s0  }
0x7: {  	s26 =	ssub.s32 $0x2, s5;
	s28 =	smul.u32 $0x50000, s0;
	s5 =	sadd.s32 $0x15400, s6  }
0x8: {  	s31 =	sshll.u32 s0, $0x6;
	s1 =	sor.u32 s0, s1;
	s29 =	sshrl.u32 s26, $0x1  }
0x9: {  	s7 =	smul.u32 $0x500, s1;
	s1 =	rddreg [dreg:$0x3];
	_ =	strace $0x8000004A  }
0xa: {  	s25 =	sadd.s32 s9, s8;
	s12 =	ssub.s32 s26, s29;
	s30 =	sshrl.u32 s28, $0x2  }
0xb: {  	s13 =	sadd.s32 s30, s3;
	s10 =	sadd.s32 s7, s6;
	s7 =	sshrl.u32 s25, $0x3  }
0xc: {  	s11 =	sadd.s32 s7, s6;
	s6 =	sor.u32 $0x1C01, s31;
	s7 =	sadd.s32 $0x1200, s10  }
0xd: {  	s8 =	sadd.s32 $0xB400, s10;
	s10 =	smax.u32 s12, $0x1;
	s12 =	simm.s32 $0x1  }
0xe: {  	s9 =	sadd.s32 $0x17C00, s11;
	s11 =	sshrl.u32 s13, $0x3;
	s13 =	simm.s32 $0x2800  }
.LBB2_1:
0xf: {  	[spmem:s11], [sflag:s6] =	dma.local [hbm:s5], $0x2800  }
0x10: {  	_ =	swait.ge [sflag:s12], $0x2800  }
0x11: {  	[sflag:s12] =	ssyncset.done $0x0  }
0x12: {  	[sflag:s12] =	ssyncadd.s32 $0xFFFFD800  }
0x13: {  	[tilespmem:s4], [sflag:$0x1] =	stream.linear.gather [hbm4b:s7+s4], $0x2780, $0x38;
	[tilespmem:$0x1D000] =	vst v63  }
0x14: {  	_ =	swait.ge [sflag:s12], $0x2780  }
0x15: {  	[sflag:s12] =	ssyncset.done $0x0  }
0x16: {  	[sflag:s12] =	ssyncadd.s32 $0xFFFFD880  }
0x17: {  	[tilespmem:s13], [sflag:$0x1] =	stream.linear.gather [hbm4b:s8+s4], $0x2780, $0x38;
	[tilespmem:$0x1D000] =	vst v63  }
0x18: {  	_ =	swait.ge [sflag:s12], $0x2780  }
0x19: {  	[sflag:s12] =	ssyncset.done $0x0  }
0x1a: {  	[sflag:s12] =	ssyncadd.s32 $0xFFFFD880  }
0x1b: {  	s17 =	simm.s32 $0x2800;
	[bflag:$0x0] =	sbarrier.arrive $0xFFFF  }
0x1c: {  	[tilespmem:s15], [sflag:$0x1] =	stream.indirect.gather [hbm4b:s2+s14], $0x80, s17, s14, $0xb8;
	[tilespmem:$0x1D000] =	vst v63  }
0x1d: {  	_ =	swait.ge [sflag:s12], $0x4000  }
0x1e: {  	[sflag:s12] =	ssyncset.done $0x0  }
0x1f: {  	s31 =	simm.s32 $0x0;
	[sflag:s12] =	ssyncadd.s32 $0xFFFFC000  }
0x20: {  	[spmem:s3] =	stream.indirect.scatter.add.f32 [tilespmem:s15], [sflag:$0x1], $0x80, s31, s14, $0xb8;
	[tilespmem:$0x1D000] =	vst v63  }
0x21: {  	_ =	swait.ge [sflag:s12], $0x4000  }
0x22: {  	s18 =	simm.s32 $0x400;
	s17 =	simm.s32 $0x80;
	[sflag:s12] =	ssyncset.done $0x0  }
.LBB2_2:
0x23: {  	s19 =	sadd.s32 $0x2800, s17  }
0x24: {  	[sflag:s12] =	ssyncadd.s32 $0xFFFFC000;
	s20 =	smov.u32 s18;
	s21 =	sadd.s32 $0x200, s18  }
0x25: {  	[tilespmem:s15], [sflag:$0x1] =	stream.indirect.gather [hbm4b:s2+s14], $0x80, s19, s14, $0xb8;
	[tilespmem:$0x1D000] =	vst v63  }
0x26: {  	p0 =	sne.s32 s18, $0x9C00;
	_ =	swait.ge [sflag:s12], $0x4000  }
.Ltmp0:
0x27: {  	[sflag:s12] =	ssyncset.done $0x0;
	(pc) =	sbr.rel @p0 .LBB2_2-.Ltmp0, $4  }
0x28: {  	[sflag:s12] =	ssyncadd.s32 $0xFFFFC000  }
0x29: {  	[spmem:s3] =	stream.indirect.scatter.add.f32 [tilespmem:s15], [sflag:$0x1], $0x80, s17, s14, $0xb8;
	[tilespmem:$0x1D000] =	vst v63  }
0x2a: {  	_ =	swait.ge [sflag:s12], $0x4000  }
0x2b: {  	s18 =	smov.u32 s21;
	s17 =	sshra.s32 s20, $0x2;
	[sflag:s12] =	ssyncset.done $0x0  }
0x2c: {  	s18 =	sadd.s32 $0x2800, s17;
	[sflag:s12] =	ssyncadd.s32 $0xFFFFC000  }
0x2d: {  	[tilespmem:s15], [sflag:$0x1] =	stream.indirect.gather [hbm4b:s2+s14], $0x80, s18, s14, $0xb8;
	[tilespmem:$0x1D000] =	vst v63  }
0x2e: {  	_ =	swait.ge [sflag:s12], $0x4000  }
0x2f: {  	[sflag:s12] =	ssyncset.done $0x0  }
0x30: {  	[sflag:s12] =	ssyncadd.s32 $0xFFFFC000  }
0x31: {  	[spmem:s3] =	stream.indirect.scatter.add.f32 [tilespmem:s15], [sflag:$0x1], $0x80, s17, s14, $0xb8;
	[tilespmem:$0x1D000] =	vst v63  }
0x32: {  	_ =	swait.ge [sflag:s12], $0x4000  }
0x33: {  	s16 =	sadd.s32 $0x1, s16;
	[sflag:s12] =	ssyncset.done $0x0  }
0x34: {  	p0 =	sne.s32 s16, s10;
	[sflag:s12] =	ssyncadd.s32 $0xFFFFC000  }
.Ltmp1:
0x35: {  	[bflag:$0x0] =	sbarrier.arrive $0xFFFF;
	(pc) =	sbr.rel @p0 .LBB2_1-.Ltmp1, $4  }
0x36: {  	[hbm:s9], [sflag:s6] =	dma.local [spmem:s11], $0x2800  }
0x37: {  	_ =	swait.ge [sflag:s12], $0x2800  }
0x38: {  	[sflag:s12] =	ssyncset.done $0x0  }
0x39: {  	[sflag:s12] =	ssyncadd.s32 $0xFFFFD800  }
0x3a: {  	_ =	sfence.sel $0x180000  }
0x3b: {  	[bflag:$0x0] =	sbarrier.arrive $0xFFFF  }
0x3c: {  	p0 =	sne.s32 s0, $0x0;
	_ =	strace $0x9000004A  }
0x3d: {  	s0 =	sadd.s32 @!p0 $0x100000, s1;
	[bflag:$0x2] =	sbarrier.arrive $0xFFFF  }
0x3e: {  	[sflag:s0] =	ssyncadd.tile.s32 @!p0 $0x1;
	_ =	shalt  }
.Lfunc_end2:
_tile_overlayer_lowered:
.L_overlay_start_2:
0x3f: {  	(tag) =	ssettag $0x2  }
0x40: {  	s0 =	rddreg [dreg:$0x0];
	s2 =	stileid.u32  }
0x41: {  	s1 =	rddreg [dreg:$0x1];
	p0 =	sne.s32 s2, $0x0  }
0x42: {  	s3 =	rddreg [dreg:$0x2];
	[bflag:$0x3] =	sbarrier.arrive $0xFFFF;
	s2 =	simm.s32 @!p0 $0x1C01  }
0x43: {  	[timem:s3], [sflag:s2] =	dma.local @!p0 [hbm:s0], s1  }
0x44: {  	s0 =	simm.s32 @!p0 $0x1  }
0x45: {  	_ =	swait.ge @!p0 [sflag:s0], s1  }
0x46: {  	s1 =	ssub.s32 @!p0 $0x0, s1;
	[sflag:s0] =	ssyncset.done @!p0 $0x0  }
0x47: {  	[sflag:s0] =	ssyncadd.s32 @!p0 s1  }
0x48: {  	[bflag:$0x3] =	sbarrier.arrive $0xFFFF  }
0x49: {  	_ =	shalt  }

</sc_bundles>
